<compile_context>
chip_gen: v7x
topology: tpu7x:2x2x1
jax: 0.10.2.dev20260603
libtpu: 0.0.44.dev20260713+nightly
codegen_flags: <defaults>
</compile_context>

<pallas_src>
import functools

import jax
import jax.numpy as jnp
from jax import lax
from jax.experimental import pallas as pl
from jax.experimental.pallas import tpu as pltpu
from jax.experimental.pallas import tpu_sc as plsc

VOCAB = 100000
EMBED_DIM = 64
BATCH = 4096
SEQ = 200
TRIG_START = 50
TRIG_STOP = 70
TRIG_LEN = TRIG_STOP - TRIG_START
PRE = TRIG_START
POST = SEQ - TRIG_STOP
POST_H = POST // 2

NUM_CORES = 2
NUM_SUBCORES = 16
NW = NUM_CORES * NUM_SUBCORES
B_PER_W = BATCH // NW
ROWS_PER_W = B_PER_W * SEQ
B_PER_CHUNK = 1
CHUNK = B_PER_CHUNK * SEQ
NCHUNK = B_PER_W // B_PER_CHUNK


def _sc_lookup(table, trigger, pre_idx, post_idx):
    mesh = plsc.VectorSubcoreMesh(core_axis_name="c", subcore_axis_name="s")

    @functools.partial(
        pl.kernel,
        out_type=jax.ShapeDtypeStruct((BATCH, SEQ, 2 * EMBED_DIM), jnp.float32),
        mesh=mesh,
        scratch_types=[
            pltpu.VMEM((B_PER_W, PRE), jnp.int32),
            pltpu.VMEM((B_PER_W, 2, POST_H), jnp.int32),
            pltpu.VMEM((2, B_PER_CHUNK, SEQ, EMBED_DIM), jnp.float32),
            pltpu.SemaphoreType.DMA,
            pltpu.SemaphoreType.DMA,
        ],
        compiler_params=pltpu.CompilerParams(use_tc_tiling_on_sc=False),
    )
    def k(table_hbm, trig_hbm, pre_hbm, post_hbm, out_hbm,
          pre_v, post_v, rows_v, gsem0, gsem1):
        wid = lax.axis_index("s") * NUM_CORES + lax.axis_index("c")
        pltpu.sync_copy(pre_hbm.at[wid], pre_v)
        pltpu.sync_copy(post_hbm.at[wid], post_v)
        for buf in range(2):
            for l in range(B_PER_CHUNK):
                pltpu.sync_copy(
                    trig_hbm,
                    rows_v.at[buf, l, pl.ds(TRIG_START, TRIG_LEN)],
                )
        gsems = (gsem0, gsem1)

        def issue(g, buf):
            for l in range(B_PER_CHUNK):
                b = g * B_PER_CHUNK + l
                pltpu.async_copy(
                    table_hbm.at[pre_v.at[b]],
                    rows_v.at[buf, l, pl.ds(0, PRE)],
                    gsems[buf],
                )
                pltpu.async_copy(
                    table_hbm.at[post_v.at[b, 0]],
                    rows_v.at[buf, l, pl.ds(TRIG_STOP, POST_H)],
                    gsems[buf],
                )
                pltpu.async_copy(
                    table_hbm.at[post_v.at[b, 1]],
                    rows_v.at[buf, l, pl.ds(TRIG_STOP + POST_H, POST_H)],
                    gsems[buf],
                )

        def drain(buf):
            for l in range(B_PER_CHUNK):
                pltpu.make_async_copy(
                    table_hbm.at[pre_v.at[l]],
                    rows_v.at[buf, l, pl.ds(0, PRE)],
                    gsems[buf],
                ).wait()
                pltpu.make_async_copy(
                    table_hbm.at[post_v.at[l, 0]],
                    rows_v.at[buf, l, pl.ds(TRIG_STOP, POST_H)],
                    gsems[buf],
                ).wait()
                pltpu.make_async_copy(
                    table_hbm.at[post_v.at[l, 1]],
                    rows_v.at[buf, l, pl.ds(TRIG_STOP + POST_H, POST_H)],
                    gsems[buf],
                ).wait()

        def write(g, buf):
            b0 = wid * B_PER_W + g * B_PER_CHUNK
            pltpu.sync_copy(
                rows_v.at[buf],
                out_hbm.at[pl.ds(b0, B_PER_CHUNK), :, pl.ds(0, EMBED_DIM)],
            )

        npair = NCHUNK // 2
        issue(0, 0)

        def body(i, carry):
            g0 = i * 2
            issue(g0 + 1, 1)
            drain(0)
            write(g0, 0)

            @pl.when(i < npair - 1)
            def _():
                issue(g0 + 2, 0)

            drain(1)
            write(g0 + 1, 1)
            return carry

        lax.fori_loop(0, npair, body, 0)

    return k(table, trigger, pre_idx, post_idx)


def kernel(x, table, trigger):
    xi = x.astype(jnp.int32)
    pre_idx = xi[:, :TRIG_START].reshape(NW, B_PER_W, PRE)
    post_idx = xi[:, TRIG_STOP:].reshape(NW, B_PER_W, 2, POST_H)
    out = _sc_lookup(table, trigger, pre_idx, post_idx)
    return out[:, :, :EMBED_DIM]

# --- scband reference (transcript-rebuilt; emitter-appended) ---
"""Pipeline reference for scband-embedding-with-injected-trigger-36077725286697 (READ-ONLY COPY).

The authoritative reference and input builder live on the scoring server;
editing this copy changes nothing except your own understanding.
"""

import jax, jax.numpy as jnp
import numpy as np

VOCAB = 100000
EMBED_DIM = 64
BATCH = 4096
SEQ = 200
TRIG_START = 50
TRIG_STOP = 70

def setup_inputs(seed: int = 0) -> dict:
    key = jax.random.key(seed)
    k1, k2 = jax.random.split(key)
    x = jax.random.randint(k1, (BATCH, SEQ), 0, VOCAB, dtype=jnp.int64) if jax.config.jax_enable_x64 else jax.random.randint(k1, (BATCH, SEQ), 0, VOCAB, dtype=jnp.int32)
    table = jax.random.normal(k2, (VOCAB, EMBED_DIM), dtype=jnp.float32) * 0.02
    trigger = jnp.zeros((TRIG_STOP - TRIG_START, EMBED_DIM), dtype=jnp.float32)
    return {"x": x, "table": table, "trigger": trigger}

def reference(x, table, trigger):
    # model_embedding(x[:, :start])
    pre = jnp.take(table, x[:, :TRIG_START], axis=0)
    # trigger_embedding.unsqueeze(0).expand(B, -1, -1)
    trig = jnp.broadcast_to(trigger[None, :, :], (x.shape[0], trigger.shape[0], trigger.shape[1]))
    # model_embedding(x[:, stop:])
    post = jnp.take(table, x[:, TRIG_STOP:], axis=0)
    return jnp.concatenate([pre, trig, post], axis=1)

if __name__ == "__main__":
    import jax
    _d = setup_inputs()
    print(jax.jit(kernel)(*tuple(_d.values())))

</pallas_src>

<mosaic_0001>
#map = affine_map<(d0, d1) -> (0, 0)>
#map1 = affine_map<(d0, d1) -> (0, 0, 0)>
#map2 = affine_map<(d0, d1) -> (0, 0, 0, 0)>
module attributes {stable_mosaic.version = 14 : i64} {
  func.func @k(%arg0: i32, %arg1: i32, %arg2: memref<100000x64xf32, #tpu.memory_space<hbm>>, %arg3: memref<20x64xf32, #tpu.memory_space<hbm>>, %arg4: memref<32x128x50xi32, #tpu.memory_space<hbm>>, %arg5: memref<32x128x2x65xi32, #tpu.memory_space<hbm>>, %arg6: memref<4096x200x128xf32, #tpu.memory_space<hbm>>, %arg7: memref<128x50xi32, #tpu.memory_space<vmem>>, %arg8: memref<128x2x65xi32, #tpu.memory_space<vmem>>, %arg9: memref<2x1x200x64xf32, #tpu.memory_space<vmem>>, %arg10: memref<!tpu.dma_semaphore, #tpu.memory_space<semaphore_mem>>, %arg11: memref<!tpu.dma_semaphore, #tpu.memory_space<semaphore_mem>>) attributes {dimension_semantics = [#tpu.dimension_semantics<core_parallel>, #tpu.dimension_semantics<subcore_parallel>], iteration_bounds = array<i64: 2, 16>, scalar_prefetch = 0 : i64, scratch_operands = 5 : i64, tpu.core_type = #tpu.core_type<sc_vector_subcore>, window_params = [{transform_indices = #map}, {transform_indices = #map}, {transform_indices = #map1}, {transform_indices = #map2}, {transform_indices = #map1}]} {
    %mul3A = arith.constant 2 : i32
    %mul3A_0 = arith.muli %arg1, %mul3A : i32
    %add3A = arith.addi %mul3A_0, %arg0 : i32
    "tpu.region"() ({
      %run_scoped3A_49 = tpu.sem_alloc : memref<!tpu.dma_semaphore, #tpu.memory_space<semaphore_mem>>
      %dma_start3A_50 = arith.constant 0 : i32
      %dma_start3A_51 = arith.constant 0 : i32
      %dma_start3A_52 = tpu.memref_slice %arg4[%add3A, %dma_start3A_50, %dma_start3A_51] : memref<32x128x50xi32, #tpu.memory_space<hbm>> -> memref<1x128x50xi32, #tpu.memory_space<hbm>>
      %dma_start3A_53 = tpu.memref_squeeze %dma_start3A_52 : memref<1x128x50xi32, #tpu.memory_space<hbm>> -> memref<128x50xi32, #tpu.memory_space<hbm>>
      %dma_start3A_54 = arith.constant 0 : i32
      %dma_start3A_55 = arith.constant 0 : i32
      %dma_start3A_56 = tpu.memref_slice %arg4[%add3A, %dma_start3A_54, %dma_start3A_55] : memref<32x128x50xi32, #tpu.memory_space<hbm>> -> memref<1x128x50xi32, #tpu.memory_space<hbm>>
      %dma_start3A_57 = tpu.memref_squeeze %dma_start3A_56 : memref<1x128x50xi32, #tpu.memory_space<hbm>> -> memref<128x50xi32, #tpu.memory_space<hbm>>
      tpu.enqueue_dma source(%dma_start3A_57 : memref<128x50xi32, #tpu.memory_space<hbm>>) target(%arg7 : memref<128x50xi32, #tpu.memory_space<vmem>>) target_semaphore(%run_scoped3A_49 : memref<!tpu.dma_semaphore, #tpu.memory_space<semaphore_mem>>)
      %dma_wait3A = arith.constant 0 : i32
      %dma_wait3A_58 = arith.constant 0 : i32
      %dma_wait3A_59 = tpu.memref_slice %arg4[%add3A, %dma_wait3A, %dma_wait3A_58] : memref<32x128x50xi32, #tpu.memory_space<hbm>> -> memref<1x128x50xi32, #tpu.memory_space<hbm>>
      %dma_wait3A_60 = tpu.memref_squeeze %dma_wait3A_59 : memref<1x128x50xi32, #tpu.memory_space<hbm>> -> memref<128x50xi32, #tpu.memory_space<hbm>>
      %dma_wait3A_61 = arith.constant 0 : i32
      %dma_wait3A_62 = arith.constant 0 : i32
      %dma_wait3A_63 = tpu.memref_slice %arg4[%add3A, %dma_wait3A_61, %dma_wait3A_62] : memref<32x128x50xi32, #tpu.memory_space<hbm>> -> memref<1x128x50xi32, #tpu.memory_space<hbm>>
      %dma_wait3A_64 = tpu.memref_squeeze %dma_wait3A_63 : memref<1x128x50xi32, #tpu.memory_space<hbm>> -> memref<128x50xi32, #tpu.memory_space<hbm>>
      tpu.wait_dma2 semaphore(%run_scoped3A_49 : memref<!tpu.dma_semaphore, #tpu.memory_space<semaphore_mem>>) src(%dma_wait3A_64 : memref<128x50xi32, #tpu.memory_space<hbm>>) dst(%arg7 : memref<128x50xi32, #tpu.memory_space<vmem>>)
      tpu.yield
    }) : () -> ()
    "tpu.region"() ({
      %run_scoped3A_49 = tpu.sem_alloc : memref<!tpu.dma_semaphore, #tpu.memory_space<semaphore_mem>>
      %dma_start3A_50 = arith.constant 0 : i32
      %dma_start3A_51 = arith.constant 0 : i32
      %dma_start3A_52 = arith.constant 0 : i32
      %dma_start3A_53 = tpu.memref_slice %arg5[%add3A, %dma_start3A_50, %dma_start3A_51, %dma_start3A_52] : memref<32x128x2x65xi32, #tpu.memory_space<hbm>> -> memref<1x128x2x65xi32, #tpu.memory_space<hbm>>
      %dma_start3A_54 = tpu.memref_squeeze %dma_start3A_53 : memref<1x128x2x65xi32, #tpu.memory_space<hbm>> -> memref<128x2x65xi32, #tpu.memory_space<hbm>>
      %dma_start3A_55 = arith.constant 0 : i32
      %dma_start3A_56 = arith.constant 0 : i32
      %dma_start3A_57 = arith.constant 0 : i32
      %dma_start3A_58 = tpu.memref_slice %arg5[%add3A, %dma_start3A_55, %dma_start3A_56, %dma_start3A_57] : memref<32x128x2x65xi32, #tpu.memory_space<hbm>> -> memref<1x128x2x65xi32, #tpu.memory_space<hbm>>
      %dma_start3A_59 = tpu.memref_squeeze %dma_start3A_58 : memref<1x128x2x65xi32, #tpu.memory_space<hbm>> -> memref<128x2x65xi32, #tpu.memory_space<hbm>>
      tpu.enqueue_dma source(%dma_start3A_59 : memref<128x2x65xi32, #tpu.memory_space<hbm>>) target(%arg8 : memref<128x2x65xi32, #tpu.memory_space<vmem>>) target_semaphore(%run_scoped3A_49 : memref<!tpu.dma_semaphore, #tpu.memory_space<semaphore_mem>>)
      %dma_wait3A = arith.constant 0 : i32
      %dma_wait3A_60 = arith.constant 0 : i32
      %dma_wait3A_61 = arith.constant 0 : i32
      %dma_wait3A_62 = tpu.memref_slice %arg5[%add3A, %dma_wait3A, %dma_wait3A_60, %dma_wait3A_61] : memref<32x128x2x65xi32, #tpu.memory_space<hbm>> -> memref<1x128x2x65xi32, #tpu.memory_space<hbm>>
      %dma_wait3A_63 = tpu.memref_squeeze %dma_wait3A_62 : memref<1x128x2x65xi32, #tpu.memory_space<hbm>> -> memref<128x2x65xi32, #tpu.memory_space<hbm>>
      %dma_wait3A_64 = arith.constant 0 : i32
      %dma_wait3A_65 = arith.constant 0 : i32
      %dma_wait3A_66 = arith.constant 0 : i32
      %dma_wait3A_67 = tpu.memref_slice %arg5[%add3A, %dma_wait3A_64, %dma_wait3A_65, %dma_wait3A_66] : memref<32x128x2x65xi32, #tpu.memory_space<hbm>> -> memref<1x128x2x65xi32, #tpu.memory_space<hbm>>
      %dma_wait3A_68 = tpu.memref_squeeze %dma_wait3A_67 : memref<1x128x2x65xi32, #tpu.memory_space<hbm>> -> memref<128x2x65xi32, #tpu.memory_space<hbm>>
      tpu.wait_dma2 semaphore(%run_scoped3A_49 : memref<!tpu.dma_semaphore, #tpu.memory_space<semaphore_mem>>) src(%dma_wait3A_68 : memref<128x2x65xi32, #tpu.memory_space<hbm>>) dst(%arg8 : memref<128x2x65xi32, #tpu.memory_space<vmem>>)
      tpu.yield
    }) : () -> ()
    %run_scoped3A = arith.constant 0 : i32
    %run_scoped3A_1 = arith.constant 0 : i32
    "tpu.region"() ({
      %run_scoped3A_49 = tpu.sem_alloc : memref<!tpu.dma_semaphore, #tpu.memory_space<semaphore_mem>>
      %dma_start3A_50 = arith.constant 50 : i32
      %dma_start3A_51 = arith.constant 0 : i32
      %dma_start3A_52 = tpu.memref_slice %arg9[%run_scoped3A, %run_scoped3A_1, %dma_start3A_50, %dma_start3A_51] : memref<2x1x200x64xf32, #tpu.memory_space<vmem>> -> memref<1x1x20x64xf32, #tpu.memory_space<vmem>>
      %dma_start3A_53 = tpu.memref_squeeze %dma_start3A_52 : memref<1x1x20x64xf32, #tpu.memory_space<vmem>> -> memref<20x64xf32, #tpu.memory_space<vmem>>
      %dma_start3A_54 = arith.constant 50 : i32
      %dma_start3A_55 = arith.constant 0 : i32
      %dma_start3A_56 = tpu.memref_slice %arg9[%run_scoped3A, %run_scoped3A_1, %dma_start3A_54, %dma_start3A_55] : memref<2x1x200x64xf32, #tpu.memory_space<vmem>> -> memref<1x1x20x64xf32, #tpu.memory_space<vmem>>
      %dma_start3A_57 = tpu.memref_squeeze %dma_start3A_56 : memref<1x1x20x64xf32, #tpu.memory_space<vmem>> -> memref<20x64xf32, #tpu.memory_space<vmem>>
      tpu.enqueue_dma source(%arg3 : memref<20x64xf32, #tpu.memory_space<hbm>>) target(%dma_start3A_57 : memref<20x64xf32, #tpu.memory_space<vmem>>) target_semaphore(%run_scoped3A_49 : memref<!tpu.dma_semaphore, #tpu.memory_space<semaphore_mem>>)
      %dma_wait3A = arith.constant 50 : i32
      %dma_wait3A_58 = arith.constant 0 : i32
      %dma_wait3A_59 = tpu.memref_slice %arg9[%run_scoped3A, %run_scoped3A_1, %dma_wait3A, %dma_wait3A_58] : memref<2x1x200x64xf32, #tpu.memory_space<vmem>> -> memref<1x1x20x64xf32, #tpu.memory_space<vmem>>
      %dma_wait3A_60 = tpu.memref_squeeze %dma_wait3A_59 : memref<1x1x20x64xf32, #tpu.memory_space<vmem>> -> memref<20x64xf32, #tpu.memory_space<vmem>>
      %dma_wait3A_61 = arith.constant 50 : i32
      %dma_wait3A_62 = arith.constant 0 : i32
      %dma_wait3A_63 = tpu.memref_slice %arg9[%run_scoped3A, %run_scoped3A_1, %dma_wait3A_61, %dma_wait3A_62] : memref<2x1x200x64xf32, #tpu.memory_space<vmem>> -> memref<1x1x20x64xf32, #tpu.memory_space<vmem>>
      %dma_wait3A_64 = tpu.memref_squeeze %dma_wait3A_63 : memref<1x1x20x64xf32, #tpu.memory_space<vmem>> -> memref<20x64xf32, #tpu.memory_space<vmem>>
      tpu.wait_dma2 semaphore(%run_scoped3A_49 : memref<!tpu.dma_semaphore, #tpu.memory_space<semaphore_mem>>) src(%arg3 : memref<20x64xf32, #tpu.memory_space<hbm>>) dst(%dma_wait3A_64 : memref<20x64xf32, #tpu.memory_space<vmem>>)
      tpu.yield
    }) : () -> ()
    %run_scoped3A_2 = arith.constant 1 : i32
    %run_scoped3A_3 = arith.constant 0 : i32
    "tpu.region"() ({
      %run_scoped3A_49 = tpu.sem_alloc : memref<!tpu.dma_semaphore, #tpu.memory_space<semaphore_mem>>
      %dma_start3A_50 = arith.constant 50 : i32
      %dma_start3A_51 = arith.constant 0 : i32
      %dma_start3A_52 = tpu.memref_slice %arg9[%run_scoped3A_2, %run_scoped3A_3, %dma_start3A_50, %dma_start3A_51] : memref<2x1x200x64xf32, #tpu.memory_space<vmem>> -> memref<1x1x20x64xf32, #tpu.memory_space<vmem>>
      %dma_start3A_53 = tpu.memref_squeeze %dma_start3A_52 : memref<1x1x20x64xf32, #tpu.memory_space<vmem>> -> memref<20x64xf32, #tpu.memory_space<vmem>>
      %dma_start3A_54 = arith.constant 50 : i32
      %dma_start3A_55 = arith.constant 0 : i32
      %dma_start3A_56 = tpu.memref_slice %arg9[%run_scoped3A_2, %run_scoped3A_3, %dma_start3A_54, %dma_start3A_55] : memref<2x1x200x64xf32, #tpu.memory_space<vmem>> -> memref<1x1x20x64xf32, #tpu.memory_space<vmem>>
      %dma_start3A_57 = tpu.memref_squeeze %dma_start3A_56 : memref<1x1x20x64xf32, #tpu.memory_space<vmem>> -> memref<20x64xf32, #tpu.memory_space<vmem>>
      tpu.enqueue_dma source(%arg3 : memref<20x64xf32, #tpu.memory_space<hbm>>) target(%dma_start3A_57 : memref<20x64xf32, #tpu.memory_space<vmem>>) target_semaphore(%run_scoped3A_49 : memref<!tpu.dma_semaphore, #tpu.memory_space<semaphore_mem>>)
      %dma_wait3A = arith.constant 50 : i32
      %dma_wait3A_58 = arith.constant 0 : i32
      %dma_wait3A_59 = tpu.memref_slice %arg9[%run_scoped3A_2, %run_scoped3A_3, %dma_wait3A, %dma_wait3A_58] : memref<2x1x200x64xf32, #tpu.memory_space<vmem>> -> memref<1x1x20x64xf32, #tpu.memory_space<vmem>>
      %dma_wait3A_60 = tpu.memref_squeeze %dma_wait3A_59 : memref<1x1x20x64xf32, #tpu.memory_space<vmem>> -> memref<20x64xf32, #tpu.memory_space<vmem>>
      %dma_wait3A_61 = arith.constant 50 : i32
      %dma_wait3A_62 = arith.constant 0 : i32
      %dma_wait3A_63 = tpu.memref_slice %arg9[%run_scoped3A_2, %run_scoped3A_3, %dma_wait3A_61, %dma_wait3A_62] : memref<2x1x200x64xf32, #tpu.memory_space<vmem>> -> memref<1x1x20x64xf32, #tpu.memory_space<vmem>>
      %dma_wait3A_64 = tpu.memref_squeeze %dma_wait3A_63 : memref<1x1x20x64xf32, #tpu.memory_space<vmem>> -> memref<20x64xf32, #tpu.memory_space<vmem>>
      tpu.wait_dma2 semaphore(%run_scoped3A_49 : memref<!tpu.dma_semaphore, #tpu.memory_space<semaphore_mem>>) src(%arg3 : memref<20x64xf32, #tpu.memory_space<hbm>>) dst(%dma_wait3A_64 : memref<20x64xf32, #tpu.memory_space<vmem>>)
      tpu.yield
    }) : () -> ()
    %dma_start3A = arith.constant 0 : i32
    %dma_start3A_4 = arith.constant 0 : i32
    %dma_start3A_5 = arith.constant 0 : i32
    %dma_start3A_6 = arith.constant 0 : i32
    %dma_start3A_7 = arith.constant 0 : i32
    %dma_start3A_8 = tpu.memref_slice %arg9[%dma_start3A_4, %dma_start3A_5, %dma_start3A_6, %dma_start3A_7] : memref<2x1x200x64xf32, #tpu.memory_space<vmem>> -> memref<1x1x50x64xf32, #tpu.memory_space<vmem>>
    %dma_start3A_9 = tpu.memref_squeeze %dma_start3A_8 : memref<1x1x50x64xf32, #tpu.memory_space<vmem>> -> memref<50x64xf32, #tpu.memory_space<vmem>>
    %dma_start3A_10 = arith.constant 0 : i32
    %dma_start3A_11 = tpu.memref_slice %arg7[%dma_start3A, %dma_start3A_10] : memref<128x50xi32, #tpu.memory_space<vmem>> -> memref<1x50xi32, #tpu.memory_space<vmem>>
    %dma_start3A_12 = tpu.memref_squeeze %dma_start3A_11 : memref<1x50xi32, #tpu.memory_space<vmem>> -> memref<50xi32, #tpu.memory_space<vmem>>
    %dma_start3A_13 = arith.constant 0 : i32
    %dma_start3A_14 = arith.constant 0 : i32
    %dma_start3A_15 = tpu.memref_slice %arg2[%dma_start3A_13, %dma_start3A_14] : memref<100000x64xf32, #tpu.memory_space<hbm>> -> memref<100000x64xf32, #tpu.memory_space<hbm>>
    tpu.enqueue_indirect_dma source(%dma_start3A_15 : memref<100000x64xf32, #tpu.memory_space<hbm>>) target(%dma_start3A_9 : memref<50x64xf32, #tpu.memory_space<vmem>>) offsets(%dma_start3A_12 : memref<50xi32, #tpu.memory_space<vmem>>) semaphore(%arg10 : memref<!tpu.dma_semaphore, #tpu.memory_space<semaphore_mem>>)
    %dma_start3A_16 = arith.constant 0 : i32
    %dma_start3A_17 = arith.constant 0 : i32
    %dma_start3A_18 = arith.constant 0 : i32
    %dma_start3A_19 = arith.constant 0 : i32
    %dma_start3A_20 = arith.constant 70 : i32
    %dma_start3A_21 = arith.constant 0 : i32
    %dma_start3A_22 = tpu.memref_slice %arg9[%dma_start3A_18, %dma_start3A_19, %dma_start3A_20, %dma_start3A_21] : memref<2x1x200x64xf32, #tpu.memory_space<vmem>> -> memref<1x1x65x64xf32, #tpu.memory_space<vmem>>
    %dma_start3A_23 = tpu.memref_squeeze %dma_start3A_22 : memref<1x1x65x64xf32, #tpu.memory_space<vmem>> -> memref<65x64xf32, #tpu.memory_space<vmem>>
    %dma_start3A_24 = arith.constant 0 : i32
    %dma_start3A_25 = tpu.memref_slice %arg8[%dma_start3A_16, %dma_start3A_17, %dma_start3A_24] : memref<128x2x65xi32, #tpu.memory_space<vmem>> -> memref<1x1x65xi32, #tpu.memory_space<vmem>>
    %dma_start3A_26 = tpu.memref_squeeze %dma_start3A_25 : memref<1x1x65xi32, #tpu.memory_space<vmem>> -> memref<65xi32, #tpu.memory_space<vmem>>
    %dma_start3A_27 = arith.constant 0 : i32
    %dma_start3A_28 = arith.constant 0 : i32
    %dma_start3A_29 = tpu.memref_slice %arg2[%dma_start3A_27, %dma_start3A_28] : memref<100000x64xf32, #tpu.memory_space<hbm>> -> memref<100000x64xf32, #tpu.memory_space<hbm>>
    tpu.enqueue_indirect_dma source(%dma_start3A_29 : memref<100000x64xf32, #tpu.memory_space<hbm>>) target(%dma_start3A_23 : memref<65x64xf32, #tpu.memory_space<vmem>>) offsets(%dma_start3A_26 : memref<65xi32, #tpu.memory_space<vmem>>) semaphore(%arg10 : memref<!tpu.dma_semaphore, #tpu.memory_space<semaphore_mem>>)
    %dma_start3A_30 = arith.constant 0 : i32
    %dma_start3A_31 = arith.constant 1 : i32
    %dma_start3A_32 = arith.constant 0 : i32
    %dma_start3A_33 = arith.constant 0 : i32
    %dma_start3A_34 = arith.constant 135 : i32
    %dma_start3A_35 = arith.constant 0 : i32
    %dma_start3A_36 = tpu.memref_slice %arg9[%dma_start3A_32, %dma_start3A_33, %dma_start3A_34, %dma_start3A_35] : memref<2x1x200x64xf32, #tpu.memory_space<vmem>> -> memref<1x1x65x64xf32, #tpu.memory_space<vmem>>
    %dma_start3A_37 = tpu.memref_squeeze %dma_start3A_36 : memref<1x1x65x64xf32, #tpu.memory_space<vmem>> -> memref<65x64xf32, #tpu.memory_space<vmem>>
    %dma_start3A_38 = arith.constant 0 : i32
    %dma_start3A_39 = tpu.memref_slice %arg8[%dma_start3A_30, %dma_start3A_31, %dma_start3A_38] : memref<128x2x65xi32, #tpu.memory_space<vmem>> -> memref<1x1x65xi32, #tpu.memory_space<vmem>>
    %dma_start3A_40 = tpu.memref_squeeze %dma_start3A_39 : memref<1x1x65xi32, #tpu.memory_space<vmem>> -> memref<65xi32, #tpu.memory_space<vmem>>
    %dma_start3A_41 = arith.constant 0 : i32
    %dma_start3A_42 = arith.constant 0 : i32
    %dma_start3A_43 = tpu.memref_slice %arg2[%dma_start3A_41, %dma_start3A_42] : memref<100000x64xf32, #tpu.memory_space<hbm>> -> memref<100000x64xf32, #tpu.memory_space<hbm>>
    tpu.enqueue_indirect_dma source(%dma_start3A_43 : memref<100000x64xf32, #tpu.memory_space<hbm>>) target(%dma_start3A_37 : memref<65x64xf32, #tpu.memory_space<vmem>>) offsets(%dma_start3A_40 : memref<65xi32, #tpu.memory_space<vmem>>) semaphore(%arg10 : memref<!tpu.dma_semaphore, #tpu.memory_space<semaphore_mem>>)
    %scan3A = arith.constant 0 : i32
    %scan3A_44 = arith.constant 0 : i32
    %scan3A_45 = arith.constant 64 : i32
    %scan3A_46 = arith.addi %scan3A_44, %scan3A_45 : i32
    %scan3A_47 = arith.constant 1 : i32
    scf.for %scan3A_49 = %scan3A_44 to %scan3A_46 step %scan3A_47  : i32 {
      %mul3A_50 = arith.constant 2 : i32
      %mul3A_51 = arith.muli %scan3A_49, %mul3A_50 : i32
      %add3A_52 = arith.constant 1 : i32
      %add3A_53 = arith.addi %mul3A_51, %add3A_52 : i32
      %mul3A_54 = arith.constant 1 : i32
      %mul3A_55 = arith.muli %add3A_53, %mul3A_54 : i32
      %add3A_56 = arith.constant 0 : i32
      %add3A_57 = arith.addi %mul3A_55, %add3A_56 : i32
      %dma_start3A_58 = arith.constant 1 : i32
      %dma_start3A_59 = arith.constant 0 : i32
      %dma_start3A_60 = arith.constant 0 : i32
      %dma_start3A_61 = arith.constant 0 : i32
      %dma_start3A_62 = tpu.memref_slice %arg9[%dma_start3A_58, %dma_start3A_59, %dma_start3A_60, %dma_start3A_61] : memref<2x1x200x64xf32, #tpu.memory_space<vmem>> -> memref<1x1x50x64xf32, #tpu.memory_space<vmem>>
      %dma_start3A_63 = tpu.memref_squeeze %dma_start3A_62 : memref<1x1x50x64xf32, #tpu.memory_space<vmem>> -> memref<50x64xf32, #tpu.memory_space<vmem>>
      %dma_start3A_64 = arith.constant 0 : i32
      %dma_start3A_65 = tpu.memref_slice %arg7[%add3A_57, %dma_start3A_64] : memref<128x50xi32, #tpu.memory_space<vmem>> -> memref<1x50xi32, #tpu.memory_space<vmem>>
      %dma_start3A_66 = tpu.memref_squeeze %dma_start3A_65 : memref<1x50xi32, #tpu.memory_space<vmem>> -> memref<50xi32, #tpu.memory_space<vmem>>
      %dma_start3A_67 = arith.constant 0 : i32
      %dma_start3A_68 = arith.constant 0 : i32
      %dma_start3A_69 = tpu.memref_slice %arg2[%dma_start3A_67, %dma_start3A_68] : memref<100000x64xf32, #tpu.memory_space<hbm>> -> memref<100000x64xf32, #tpu.memory_space<hbm>>
      tpu.enqueue_indirect_dma source(%dma_start3A_69 : memref<100000x64xf32, #tpu.memory_space<hbm>>) target(%dma_start3A_63 : memref<50x64xf32, #tpu.memory_space<vmem>>) offsets(%dma_start3A_66 : memref<50xi32, #tpu.memory_space<vmem>>) semaphore(%arg11 : memref<!tpu.dma_semaphore, #tpu.memory_space<semaphore_mem>>)
      %dma_start3A_70 = arith.constant 0 : i32
      %dma_start3A_71 = arith.constant 1 : i32
      %dma_start3A_72 = arith.constant 0 : i32
      %dma_start3A_73 = arith.constant 70 : i32
      %dma_start3A_74 = arith.constant 0 : i32
      %dma_start3A_75 = tpu.memref_slice %arg9[%dma_start3A_71, %dma_start3A_72, %dma_start3A_73, %dma_start3A_74] : memref<2x1x200x64xf32, #tpu.memory_space<vmem>> -> memref<1x1x65x64xf32, #tpu.memory_space<vmem>>
      %dma_start3A_76 = tpu.memref_squeeze %dma_start3A_75 : memref<1x1x65x64xf32, #tpu.memory_space<vmem>> -> memref<65x64xf32, #tpu.memory_space<vmem>>
      %dma_start3A_77 = arith.constant 0 : i32
      %dma_start3A_78 = tpu.memref_slice %arg8[%add3A_57, %dma_start3A_70, %dma_start3A_77] : memref<128x2x65xi32, #tpu.memory_space<vmem>> -> memref<1x1x65xi32, #tpu.memory_space<vmem>>
      %dma_start3A_79 = tpu.memref_squeeze %dma_start3A_78 : memref<1x1x65xi32, #tpu.memory_space<vmem>> -> memref<65xi32, #tpu.memory_space<vmem>>
      %dma_start3A_80 = arith.constant 0 : i32
      %dma_start3A_81 = arith.constant 0 : i32
      %dma_start3A_82 = tpu.memref_slice %arg2[%dma_start3A_80, %dma_start3A_81] : memref<100000x64xf32, #tpu.memory_space<hbm>> -> memref<100000x64xf32, #tpu.memory_space<hbm>>
      tpu.enqueue_indirect_dma source(%dma_start3A_82 : memref<100000x64xf32, #tpu.memory_space<hbm>>) target(%dma_start3A_76 : memref<65x64xf32, #tpu.memory_space<vmem>>) offsets(%dma_start3A_79 : memref<65xi32, #tpu.memory_space<vmem>>) semaphore(%arg11 : memref<!tpu.dma_semaphore, #tpu.memory_space<semaphore_mem>>)
      %dma_start3A_83 = arith.constant 1 : i32
      %dma_start3A_84 = arith.constant 1 : i32
      %dma_start3A_85 = arith.constant 0 : i32
      %dma_start3A_86 = arith.constant 135 : i32
      %dma_start3A_87 = arith.constant 0 : i32
      %dma_start3A_88 = tpu.memref_slice %arg9[%dma_start3A_84, %dma_start3A_85, %dma_start3A_86, %dma_start3A_87] : memref<2x1x200x64xf32, #tpu.memory_space<vmem>> -> memref<1x1x65x64xf32, #tpu.memory_space<vmem>>
      %dma_start3A_89 = tpu.memref_squeeze %dma_start3A_88 : memref<1x1x65x64xf32, #tpu.memory_space<vmem>> -> memref<65x64xf32, #tpu.memory_space<vmem>>
      %dma_start3A_90 = arith.constant 0 : i32
      %dma_start3A_91 = tpu.memref_slice %arg8[%add3A_57, %dma_start3A_83, %dma_start3A_90] : memref<128x2x65xi32, #tpu.memory_space<vmem>> -> memref<1x1x65xi32, #tpu.memory_space<vmem>>
      %dma_start3A_92 = tpu.memref_squeeze %dma_start3A_91 : memref<1x1x65xi32, #tpu.memory_space<vmem>> -> memref<65xi32, #tpu.memory_space<vmem>>
      %dma_start3A_93 = arith.constant 0 : i32
      %dma_start3A_94 = arith.constant 0 : i32
      %dma_start3A_95 = tpu.memref_slice %arg2[%dma_start3A_93, %dma_start3A_94] : memref<100000x64xf32, #tpu.memory_space<hbm>> -> memref<100000x64xf32, #tpu.memory_space<hbm>>
      tpu.enqueue_indirect_dma source(%dma_start3A_95 : memref<100000x64xf32, #tpu.memory_space<hbm>>) target(%dma_start3A_89 : memref<65x64xf32, #tpu.memory_space<vmem>>) offsets(%dma_start3A_92 : memref<65xi32, #tpu.memory_space<vmem>>) semaphore(%arg11 : memref<!tpu.dma_semaphore, #tpu.memory_space<semaphore_mem>>)
      %dma_wait3A = arith.constant 0 : i32
      %dma_wait3A_96 = arith.constant 0 : i32
      %dma_wait3A_97 = arith.constant 0 : i32
      %dma_wait3A_98 = arith.constant 0 : i32
      %dma_wait3A_99 = arith.constant 0 : i32
      %dma_wait3A_100 = tpu.memref_slice %arg9[%dma_wait3A_96, %dma_wait3A_97, %dma_wait3A_98, %dma_wait3A_99] : memref<2x1x200x64xf32, #tpu.memory_space<vmem>> -> memref<1x1x50x64xf32, #tpu.memory_space<vmem>>
      %dma_wait3A_101 = tpu.memref_squeeze %dma_wait3A_100 : memref<1x1x50x64xf32, #tpu.memory_space<vmem>> -> memref<50x64xf32, #tpu.memory_space<vmem>>
      %dma_wait3A_102 = arith.constant 0 : i32
      %dma_wait3A_103 = tpu.memref_slice %arg7[%dma_wait3A, %dma_wait3A_102] : memref<128x50xi32, #tpu.memory_space<vmem>> -> memref<1x50xi32, #tpu.memory_space<vmem>>
      %dma_wait3A_104 = tpu.memref_squeeze %dma_wait3A_103 : memref<1x50xi32, #tpu.memory_space<vmem>> -> memref<50xi32, #tpu.memory_space<vmem>>
      %dma_wait3A_105 = arith.constant 0 : i32
      %dma_wait3A_106 = arith.constant 0 : i32
      %dma_wait3A_107 = tpu.memref_slice %arg2[%dma_wait3A_105, %dma_wait3A_106] : memref<100000x64xf32, #tpu.memory_space<hbm>> -> memref<100000x64xf32, #tpu.memory_space<hbm>>
      tpu.wait_indirect_dma semaphore(%arg10 : memref<!tpu.dma_semaphore, #tpu.memory_space<semaphore_mem>>) src(%dma_wait3A_107 : memref<100000x64xf32, #tpu.memory_space<hbm>>) dst(%dma_wait3A_101 : memref<50x64xf32, #tpu.memory_space<vmem>>)
      %dma_wait3A_108 = arith.constant 0 : i32
      %dma_wait3A_109 = arith.constant 0 : i32
      %dma_wait3A_110 = arith.constant 0 : i32
      %dma_wait3A_111 = arith.constant 0 : i32
      %dma_wait3A_112 = arith.constant 70 : i32
      %dma_wait3A_113 = arith.constant 0 : i32
      %dma_wait3A_114 = tpu.memref_slice %arg9[%dma_wait3A_110, %dma_wait3A_111, %dma_wait3A_112, %dma_wait3A_113] : memref<2x1x200x64xf32, #tpu.memory_space<vmem>> -> memref<1x1x65x64xf32, #tpu.memory_space<vmem>>
      %dma_wait3A_115 = tpu.memref_squeeze %dma_wait3A_114 : memref<1x1x65x64xf32, #tpu.memory_space<vmem>> -> memref<65x64xf32, #tpu.memory_space<vmem>>
      %dma_wait3A_116 = arith.constant 0 : i32
      %dma_wait3A_117 = tpu.memref_slice %arg8[%dma_wait3A_108, %dma_wait3A_109, %dma_wait3A_116] : memref<128x2x65xi32, #tpu.memory_space<vmem>> -> memref<1x1x65xi32, #tpu.memory_space<vmem>>
      %dma_wait3A_118 = tpu.memref_squeeze %dma_wait3A_117 : memref<1x1x65xi32, #tpu.memory_space<vmem>> -> memref<65xi32, #tpu.memory_space<vmem>>
      %dma_wait3A_119 = arith.constant 0 : i32
      %dma_wait3A_120 = arith.constant 0 : i32
      %dma_wait3A_121 = tpu.memref_slice %arg2[%dma_wait3A_119, %dma_wait3A_120] : memref<100000x64xf32, #tpu.memory_space<hbm>> -> memref<100000x64xf32, #tpu.memory_space<hbm>>
      tpu.wait_indirect_dma semaphore(%arg10 : memref<!tpu.dma_semaphore, #tpu.memory_space<semaphore_mem>>) src(%dma_wait3A_121 : memref<100000x64xf32, #tpu.memory_space<hbm>>) dst(%dma_wait3A_115 : memref<65x64xf32, #tpu.memory_space<vmem>>)
      %dma_wait3A_122 = arith.constant 0 : i32
      %dma_wait3A_123 = arith.constant 1 : i32
      %dma_wait3A_124 = arith.constant 0 : i32
      %dma_wait3A_125 = arith.constant 0 : i32
      %dma_wait3A_126 = arith.constant 135 : i32
      %dma_wait3A_127 = arith.constant 0 : i32
      %dma_wait3A_128 = tpu.memref_slice %arg9[%dma_wait3A_124, %dma_wait3A_125, %dma_wait3A_126, %dma_wait3A_127] : memref<2x1x200x64xf32, #tpu.memory_space<vmem>> -> memref<1x1x65x64xf32, #tpu.memory_space<vmem>>
      %dma_wait3A_129 = tpu.memref_squeeze %dma_wait3A_128 : memref<1x1x65x64xf32, #tpu.memory_space<vmem>> -> memref<65x64xf32, #tpu.memory_space<vmem>>
      %dma_wait3A_130 = arith.constant 0 : i32
      %dma_wait3A_131 = tpu.memref_slice %arg8[%dma_wait3A_122, %dma_wait3A_123, %dma_wait3A_130] : memref<128x2x65xi32, #tpu.memory_space<vmem>> -> memref<1x1x65xi32, #tpu.memory_space<vmem>>
      %dma_wait3A_132 = tpu.memref_squeeze %dma_wait3A_131 : memref<1x1x65xi32, #tpu.memory_space<vmem>> -> memref<65xi32, #tpu.memory_space<vmem>>
      %dma_wait3A_133 = arith.constant 0 : i32
      %dma_wait3A_134 = arith.constant 0 : i32
      %dma_wait3A_135 = tpu.memref_slice %arg2[%dma_wait3A_133, %dma_wait3A_134] : memref<100000x64xf32, #tpu.memory_space<hbm>> -> memref<100000x64xf32, #tpu.memory_space<hbm>>
      tpu.wait_indirect_dma semaphore(%arg10 : memref<!tpu.dma_semaphore, #tpu.memory_space<semaphore_mem>>) src(%dma_wait3A_135 : memref<100000x64xf32, #tpu.memory_space<hbm>>) dst(%dma_wait3A_129 : memref<65x64xf32, #tpu.memory_space<vmem>>)
      %mul3A_136 = arith.constant 128 : i32
      %mul3A_137 = arith.muli %add3A, %mul3A_136 : i32
      %mul3A_138 = arith.constant 1 : i32
      %mul3A_139 = arith.muli %mul3A_51, %mul3A_138 : i32
      %add3A_140 = arith.addi %mul3A_137, %mul3A_139 : i32
      %run_scoped3A_141 = arith.constant 0 : i32
      "tpu.region"() ({
        %run_scoped3A_193 = tpu.sem_alloc : memref<!tpu.dma_semaphore, #tpu.memory_space<semaphore_mem>>
        %dma_start3A_194 = arith.constant 0 : i32
        %dma_start3A_195 = arith.constant 0 : i32
        %dma_start3A_196 = arith.constant 0 : i32
        %dma_start3A_197 = tpu.memref_slice %arg9[%run_scoped3A_141, %dma_start3A_194, %dma_start3A_195, %dma_start3A_196] : memref<2x1x200x64xf32, #tpu.memory_space<vmem>> -> memref<1x1x200x64xf32, #tpu.memory_space<vmem>>
        %dma_start3A_198 = tpu.memref_squeeze %dma_start3A_197 : memref<1x1x200x64xf32, #tpu.memory_space<vmem>> -> memref<1x200x64xf32, #tpu.memory_space<vmem>>
        %dma_start3A_199 = arith.constant 0 : i32
        %dma_start3A_200 = arith.constant 0 : i32
        %dma_start3A_201 = tpu.memref_slice %arg6[%add3A_140, %dma_start3A_199, %dma_start3A_200] : memref<4096x200x128xf32, #tpu.memory_space<hbm>> -> memref<1x200x64xf32, #tpu.memory_space<hbm>>
        %dma_start3A_202 = arith.constant 0 : i32
        %dma_start3A_203 = arith.constant 0 : i32
        %dma_start3A_204 = tpu.memref_slice %arg6[%add3A_140, %dma_start3A_202, %dma_start3A_203] : memref<4096x200x128xf32, #tpu.memory_space<hbm>> -> memref<1x200x64xf32, #tpu.memory_space<hbm>>
        %dma_start3A_205 = arith.constant 0 : i32
        %dma_start3A_206 = arith.constant 0 : i32
        %dma_start3A_207 = arith.constant 0 : i32
        %dma_start3A_208 = tpu.memref_slice %arg9[%run_scoped3A_141, %dma_start3A_205, %dma_start3A_206, %dma_start3A_207] : memref<2x1x200x64xf32, #tpu.memory_space<vmem>> -> memref<1x1x200x64xf32, #tpu.memory_space<vmem>>
        %dma_start3A_209 = tpu.memref_squeeze %dma_start3A_208 : memref<1x1x200x64xf32, #tpu.memory_space<vmem>> -> memref<1x200x64xf32, #tpu.memory_space<vmem>>
        tpu.enqueue_dma source(%dma_start3A_209 : memref<1x200x64xf32, #tpu.memory_space<vmem>>) target(%dma_start3A_204 : memref<1x200x64xf32, #tpu.memory_space<hbm>>) target_semaphore(%run_scoped3A_193 : memref<!tpu.dma_semaphore, #tpu.memory_space<semaphore_mem>>)
        %dma_wait3A_210 = arith.constant 0 : i32
        %dma_wait3A_211 = arith.constant 0 : i32
        %dma_wait3A_212 = arith.constant 0 : i32
        %dma_wait3A_213 = tpu.memref_slice %arg9[%run_scoped3A_141, %dma_wait3A_210, %dma_wait3A_211, %dma_wait3A_212] : memref<2x1x200x64xf32, #tpu.memory_space<vmem>> -> memref<1x1x200x64xf32, #tpu.memory_space<vmem>>
        %dma_wait3A_214 = tpu.memref_squeeze %dma_wait3A_213 : memref<1x1x200x64xf32, #tpu.memory_space<vmem>> -> memref<1x200x64xf32, #tpu.memory_space<vmem>>
        %dma_wait3A_215 = arith.constant 0 : i32
        %dma_wait3A_216 = arith.constant 0 : i32
        %dma_wait3A_217 = tpu.memref_slice %arg6[%add3A_140, %dma_wait3A_215, %dma_wait3A_216] : memref<4096x200x128xf32, #tpu.memory_space<hbm>> -> memref<1x200x64xf32, #tpu.memory_space<hbm>>
        %dma_wait3A_218 = arith.constant 0 : i32
        %dma_wait3A_219 = arith.constant 0 : i32
        %dma_wait3A_220 = tpu.memref_slice %arg6[%add3A_140, %dma_wait3A_218, %dma_wait3A_219] : memref<4096x200x128xf32, #tpu.memory_space<hbm>> -> memref<1x200x64xf32, #tpu.memory_space<hbm>>
        %dma_wait3A_221 = arith.constant 0 : i32
        %dma_wait3A_222 = arith.constant 0 : i32
        %dma_wait3A_223 = arith.constant 0 : i32
        %dma_wait3A_224 = tpu.memref_slice %arg9[%run_scoped3A_141, %dma_wait3A_221, %dma_wait3A_222, %dma_wait3A_223] : memref<2x1x200x64xf32, #tpu.memory_space<vmem>> -> memref<1x1x200x64xf32, #tpu.memory_space<vmem>>
        %dma_wait3A_225 = tpu.memref_squeeze %dma_wait3A_224 : memref<1x1x200x64xf32, #tpu.memory_space<vmem>> -> memref<1x200x64xf32, #tpu.memory_space<vmem>>
        tpu.wait_dma2 semaphore(%run_scoped3A_193 : memref<!tpu.dma_semaphore, #tpu.memory_space<semaphore_mem>>) src(%dma_wait3A_225 : memref<1x200x64xf32, #tpu.memory_space<vmem>>) dst(%dma_wait3A_220 : memref<1x200x64xf32, #tpu.memory_space<hbm>>)
        tpu.yield
      }) : () -> ()
      %lt3A = arith.constant 63 : i32
      %lt3A_142 = arith.cmpi slt, %scan3A_49, %lt3A : i32
      %convert_element_type3A = arith.extui %lt3A_142 : i1 to i32
      %cond3A = arith.constant 0 : i32
      %cond3A_143 = arith.cmpi ne, %convert_element_type3A, %cond3A : i32
      scf.if %cond3A_143 {
        %add3A_193 = arith.constant 2 : i32
        %add3A_194 = arith.addi %mul3A_51, %add3A_193 : i32
        %mul3A_195 = arith.constant 1 : i32
        %mul3A_196 = arith.muli %add3A_194, %mul3A_195 : i32
        %add3A_197 = arith.constant 0 : i32
        %add3A_198 = arith.addi %mul3A_196, %add3A_197 : i32
        %dma_start3A_199 = arith.constant 0 : i32
        %dma_start3A_200 = arith.constant 0 : i32
        %dma_start3A_201 = arith.constant 0 : i32
        %dma_start3A_202 = arith.constant 0 : i32
        %dma_start3A_203 = tpu.memref_slice %arg9[%dma_start3A_199, %dma_start3A_200, %dma_start3A_201, %dma_start3A_202] : memref<2x1x200x64xf32, #tpu.memory_space<vmem>> -> memref<1x1x50x64xf32, #tpu.memory_space<vmem>>
        %dma_start3A_204 = tpu.memref_squeeze %dma_start3A_203 : memref<1x1x50x64xf32, #tpu.memory_space<vmem>> -> memref<50x64xf32, #tpu.memory_space<vmem>>
        %dma_start3A_205 = arith.constant 0 : i32
        %dma_start3A_206 = tpu.memref_slice %arg7[%add3A_198, %dma_start3A_205] : memref<128x50xi32, #tpu.memory_space<vmem>> -> memref<1x50xi32, #tpu.memory_space<vmem>>
        %dma_start3A_207 = tpu.memref_squeeze %dma_start3A_206 : memref<1x50xi32, #tpu.memory_space<vmem>> -> memref<50xi32, #tpu.memory_space<vmem>>
        %dma_start3A_208 = arith.constant 0 : i32
        %dma_start3A_209 = arith.constant 0 : i32
        %dma_start3A_210 = tpu.memref_slice %arg2[%dma_start3A_208, %dma_start3A_209] : memref<100000x64xf32, #tpu.memory_space<hbm>> -> memref<100000x64xf32, #tpu.memory_space<hbm>>
        tpu.enqueue_indirect_dma source(%dma_start3A_210 : memref<100000x64xf32, #tpu.memory_space<hbm>>) target(%dma_start3A_204 : memref<50x64xf32, #tpu.memory_space<vmem>>) offsets(%dma_start3A_207 : memref<50xi32, #tpu.memory_space<vmem>>) semaphore(%arg10 : memref<!tpu.dma_semaphore, #tpu.memory_space<semaphore_mem>>)
        %dma_start3A_211 = arith.constant 0 : i32
        %dma_start3A_212 = arith.constant 0 : i32
        %dma_start3A_213 = arith.constant 0 : i32
        %dma_start3A_214 = arith.constant 70 : i32
        %dma_start3A_215 = arith.constant 0 : i32
        %dma_start3A_216 = tpu.memref_slice %arg9[%dma_start3A_212, %dma_start3A_213, %dma_start3A_214, %dma_start3A_215] : memref<2x1x200x64xf32, #tpu.memory_space<vmem>> -> memref<1x1x65x64xf32, #tpu.memory_space<vmem>>
        %dma_start3A_217 = tpu.memref_squeeze %dma_start3A_216 : memref<1x1x65x64xf32, #tpu.memory_space<vmem>> -> memref<65x64xf32, #tpu.memory_space<vmem>>
        %dma_start3A_218 = arith.constant 0 : i32
        %dma_start3A_219 = tpu.memref_slice %arg8[%add3A_198, %dma_start3A_211, %dma_start3A_218] : memref<128x2x65xi32, #tpu.memory_space<vmem>> -> memref<1x1x65xi32, #tpu.memory_space<vmem>>
        %dma_start3A_220 = tpu.memref_squeeze %dma_start3A_219 : memref<1x1x65xi32, #tpu.memory_space<vmem>> -> memref<65xi32, #tpu.memory_space<vmem>>
        %dma_start3A_221 = arith.constant 0 : i32
        %dma_start3A_222 = arith.constant 0 : i32
        %dma_start3A_223 = tpu.memref_slice %arg2[%dma_start3A_221, %dma_start3A_222] : memref<100000x64xf32, #tpu.memory_space<hbm>> -> memref<100000x64xf32, #tpu.memory_space<hbm>>
        tpu.enqueue_indirect_dma source(%dma_start3A_223 : memref<100000x64xf32, #tpu.memory_space<hbm>>) target(%dma_start3A_217 : memref<65x64xf32, #tpu.memory_space<vmem>>) offsets(%dma_start3A_220 : memref<65xi32, #tpu.memory_space<vmem>>) semaphore(%arg10 : memref<!tpu.dma_semaphore, #tpu.memory_space<semaphore_mem>>)
        %dma_start3A_224 = arith.constant 1 : i32
        %dma_start3A_225 = arith.constant 0 : i32
        %dma_start3A_226 = arith.constant 0 : i32
        %dma_start3A_227 = arith.constant 135 : i32
        %dma_start3A_228 = arith.constant 0 : i32
        %dma_start3A_229 = tpu.memref_slice %arg9[%dma_start3A_225, %dma_start3A_226, %dma_start3A_227, %dma_start3A_228] : memref<2x1x200x64xf32, #tpu.memory_space<vmem>> -> memref<1x1x65x64xf32, #tpu.memory_space<vmem>>
        %dma_start3A_230 = tpu.memref_squeeze %dma_start3A_229 : memref<1x1x65x64xf32, #tpu.memory_space<vmem>> -> memref<65x64xf32, #tpu.memory_space<vmem>>
        %dma_start3A_231 = arith.constant 0 : i32
        %dma_start3A_232 = tpu.memref_slice %arg8[%add3A_198, %dma_start3A_224, %dma_start3A_231] : memref<128x2x65xi32, #tpu.memory_space<vmem>> -> memref<1x1x65xi32, #tpu.memory_space<vmem>>
        %dma_start3A_233 = tpu.memref_squeeze %dma_start3A_232 : memref<1x1x65xi32, #tpu.memory_space<vmem>> -> memref<65xi32, #tpu.memory_space<vmem>>
        %dma_start3A_234 = arith.constant 0 : i32
        %dma_start3A_235 = arith.constant 0 : i32
        %dma_start3A_236 = tpu.memref_slice %arg2[%dma_start3A_234, %dma_start3A_235] : memref<100000x64xf32, #tpu.memory_space<hbm>> -> memref<100000x64xf32, #tpu.memory_space<hbm>>
        tpu.enqueue_indirect_dma source(%dma_start3A_236 : memref<100000x64xf32, #tpu.memory_space<hbm>>) target(%dma_start3A_230 : memref<65x64xf32, #tpu.memory_space<vmem>>) offsets(%dma_start3A_233 : memref<65xi32, #tpu.memory_space<vmem>>) semaphore(%arg10 : memref<!tpu.dma_semaphore, #tpu.memory_space<semaphore_mem>>)
      } else {
      }
      %dma_wait3A_144 = arith.constant 0 : i32
      %dma_wait3A_145 = arith.constant 1 : i32
      %dma_wait3A_146 = arith.constant 0 : i32
      %dma_wait3A_147 = arith.constant 0 : i32
      %dma_wait3A_148 = arith.constant 0 : i32
      %dma_wait3A_149 = tpu.memref_slice %arg9[%dma_wait3A_145, %dma_wait3A_146, %dma_wait3A_147, %dma_wait3A_148] : memref<2x1x200x64xf32, #tpu.memory_space<vmem>> -> memref<1x1x50x64xf32, #tpu.memory_space<vmem>>
      %dma_wait3A_150 = tpu.memref_squeeze %dma_wait3A_149 : memref<1x1x50x64xf32, #tpu.memory_space<vmem>> -> memref<50x64xf32, #tpu.memory_space<vmem>>
      %dma_wait3A_151 = arith.constant 0 : i32
      %dma_wait3A_152 = tpu.memref_slice %arg7[%dma_wait3A_144, %dma_wait3A_151] : memref<128x50xi32, #tpu.memory_space<vmem>> -> memref<1x50xi32, #tpu.memory_space<vmem>>
      %dma_wait3A_153 = tpu.memref_squeeze %dma_wait3A_152 : memref<1x50xi32, #tpu.memory_space<vmem>> -> memref<50xi32, #tpu.memory_space<vmem>>
      %dma_wait3A_154 = arith.constant 0 : i32
      %dma_wait3A_155 = arith.constant 0 : i32
      %dma_wait3A_156 = tpu.memref_slice %arg2[%dma_wait3A_154, %dma_wait3A_155] : memref<100000x64xf32, #tpu.memory_space<hbm>> -> memref<100000x64xf32, #tpu.memory_space<hbm>>
      tpu.wait_indirect_dma semaphore(%arg11 : memref<!tpu.dma_semaphore, #tpu.memory_space<semaphore_mem>>) src(%dma_wait3A_156 : memref<100000x64xf32, #tpu.memory_space<hbm>>) dst(%dma_wait3A_150 : memref<50x64xf32, #tpu.memory_space<vmem>>)
      %dma_wait3A_157 = arith.constant 0 : i32
      %dma_wait3A_158 = arith.constant 0 : i32
      %dma_wait3A_159 = arith.constant 1 : i32
      %dma_wait3A_160 = arith.constant 0 : i32
      %dma_wait3A_161 = arith.constant 70 : i32
      %dma_wait3A_162 = arith.constant 0 : i32
      %dma_wait3A_163 = tpu.memref_slice %arg9[%dma_wait3A_159, %dma_wait3A_160, %dma_wait3A_161, %dma_wait3A_162] : memref<2x1x200x64xf32, #tpu.memory_space<vmem>> -> memref<1x1x65x64xf32, #tpu.memory_space<vmem>>
      %dma_wait3A_164 = tpu.memref_squeeze %dma_wait3A_163 : memref<1x1x65x64xf32, #tpu.memory_space<vmem>> -> memref<65x64xf32, #tpu.memory_space<vmem>>
      %dma_wait3A_165 = arith.constant 0 : i32
      %dma_wait3A_166 = tpu.memref_slice %arg8[%dma_wait3A_157, %dma_wait3A_158, %dma_wait3A_165] : memref<128x2x65xi32, #tpu.memory_space<vmem>> -> memref<1x1x65xi32, #tpu.memory_space<vmem>>
      %dma_wait3A_167 = tpu.memref_squeeze %dma_wait3A_166 : memref<1x1x65xi32, #tpu.memory_space<vmem>> -> memref<65xi32, #tpu.memory_space<vmem>>
      %dma_wait3A_168 = arith.constant 0 : i32
      %dma_wait3A_169 = arith.constant 0 : i32
      %dma_wait3A_170 = tpu.memref_slice %arg2[%dma_wait3A_168, %dma_wait3A_169] : memref<100000x64xf32, #tpu.memory_space<hbm>> -> memref<100000x64xf32, #tpu.memory_space<hbm>>
      tpu.wait_indirect_dma semaphore(%arg11 : memref<!tpu.dma_semaphore, #tpu.memory_space<semaphore_mem>>) src(%dma_wait3A_170 : memref<100000x64xf32, #tpu.memory_space<hbm>>) dst(%dma_wait3A_164 : memref<65x64xf32, #tpu.memory_space<vmem>>)
      %dma_wait3A_171 = arith.constant 0 : i32
      %dma_wait3A_172 = arith.constant 1 : i32
      %dma_wait3A_173 = arith.constant 1 : i32
      %dma_wait3A_174 = arith.constant 0 : i32
      %dma_wait3A_175 = arith.constant 135 : i32
      %dma_wait3A_176 = arith.constant 0 : i32
      %dma_wait3A_177 = tpu.memref_slice %arg9[%dma_wait3A_173, %dma_wait3A_174, %dma_wait3A_175, %dma_wait3A_176] : memref<2x1x200x64xf32, #tpu.memory_space<vmem>> -> memref<1x1x65x64xf32, #tpu.memory_space<vmem>>
      %dma_wait3A_178 = tpu.memref_squeeze %dma_wait3A_177 : memref<1x1x65x64xf32, #tpu.memory_space<vmem>> -> memref<65x64xf32, #tpu.memory_space<vmem>>
      %dma_wait3A_179 = arith.constant 0 : i32
      %dma_wait3A_180 = tpu.memref_slice %arg8[%dma_wait3A_171, %dma_wait3A_172, %dma_wait3A_179] : memref<128x2x65xi32, #tpu.memory_space<vmem>> -> memref<1x1x65xi32, #tpu.memory_space<vmem>>
      %dma_wait3A_181 = tpu.memref_squeeze %dma_wait3A_180 : memref<1x1x65xi32, #tpu.memory_space<vmem>> -> memref<65xi32, #tpu.memory_space<vmem>>
      %dma_wait3A_182 = arith.constant 0 : i32
      %dma_wait3A_183 = arith.constant 0 : i32
      %dma_wait3A_184 = tpu.memref_slice %arg2[%dma_wait3A_182, %dma_wait3A_183] : memref<100000x64xf32, #tpu.memory_space<hbm>> -> memref<100000x64xf32, #tpu.memory_space<hbm>>
      tpu.wait_indirect_dma semaphore(%arg11 : memref<!tpu.dma_semaphore, #tpu.memory_space<semaphore_mem>>) src(%dma_wait3A_184 : memref<100000x64xf32, #tpu.memory_space<hbm>>) dst(%dma_wait3A_178 : memref<65x64xf32, #tpu.memory_space<vmem>>)
      %add3A_185 = arith.constant 1 : i32
      %add3A_186 = arith.addi %mul3A_51, %add3A_185 : i32
      %mul3A_187 = arith.constant 128 : i32
      %mul3A_188 = arith.muli %add3A, %mul3A_187 : i32
      %mul3A_189 = arith.constant 1 : i32
      %mul3A_190 = arith.muli %add3A_186, %mul3A_189 : i32
      %add3A_191 = arith.addi %mul3A_188, %mul3A_190 : i32
      %run_scoped3A_192 = arith.constant 1 : i32
      "tpu.region"() ({
        %run_scoped3A_193 = tpu.sem_alloc : memref<!tpu.dma_semaphore, #tpu.memory_space<semaphore_mem>>
        %dma_start3A_194 = arith.constant 0 : i32
        %dma_start3A_195 = arith.constant 0 : i32
        %dma_start3A_196 = arith.constant 0 : i32
        %dma_start3A_197 = tpu.memref_slice %arg9[%run_scoped3A_192, %dma_start3A_194, %dma_start3A_195, %dma_start3A_196] : memref<2x1x200x64xf32, #tpu.memory_space<vmem>> -> memref<1x1x200x64xf32, #tpu.memory_space<vmem>>
        %dma_start3A_198 = tpu.memref_squeeze %dma_start3A_197 : memref<1x1x200x64xf32, #tpu.memory_space<vmem>> -> memref<1x200x64xf32, #tpu.memory_space<vmem>>
        %dma_start3A_199 = arith.constant 0 : i32
        %dma_start3A_200 = arith.constant 0 : i32
        %dma_start3A_201 = tpu.memref_slice %arg6[%add3A_191, %dma_start3A_199, %dma_start3A_200] : memref<4096x200x128xf32, #tpu.memory_space<hbm>> -> memref<1x200x64xf32, #tpu.memory_space<hbm>>
        %dma_start3A_202 = arith.constant 0 : i32
        %dma_start3A_203 = arith.constant 0 : i32
        %dma_start3A_204 = tpu.memref_slice %arg6[%add3A_191, %dma_start3A_202, %dma_start3A_203] : memref<4096x200x128xf32, #tpu.memory_space<hbm>> -> memref<1x200x64xf32, #tpu.memory_space<hbm>>
        %dma_start3A_205 = arith.constant 0 : i32
        %dma_start3A_206 = arith.constant 0 : i32
        %dma_start3A_207 = arith.constant 0 : i32
        %dma_start3A_208 = tpu.memref_slice %arg9[%run_scoped3A_192, %dma_start3A_205, %dma_start3A_206, %dma_start3A_207] : memref<2x1x200x64xf32, #tpu.memory_space<vmem>> -> memref<1x1x200x64xf32, #tpu.memory_space<vmem>>
        %dma_start3A_209 = tpu.memref_squeeze %dma_start3A_208 : memref<1x1x200x64xf32, #tpu.memory_space<vmem>> -> memref<1x200x64xf32, #tpu.memory_space<vmem>>
        tpu.enqueue_dma source(%dma_start3A_209 : memref<1x200x64xf32, #tpu.memory_space<vmem>>) target(%dma_start3A_204 : memref<1x200x64xf32, #tpu.memory_space<hbm>>) target_semaphore(%run_scoped3A_193 : memref<!tpu.dma_semaphore, #tpu.memory_space<semaphore_mem>>)
        %dma_wait3A_210 = arith.constant 0 : i32
        %dma_wait3A_211 = arith.constant 0 : i32
        %dma_wait3A_212 = arith.constant 0 : i32
        %dma_wait3A_213 = tpu.memref_slice %arg9[%run_scoped3A_192, %dma_wait3A_210, %dma_wait3A_211, %dma_wait3A_212] : memref<2x1x200x64xf32, #tpu.memory_space<vmem>> -> memref<1x1x200x64xf32, #tpu.memory_space<vmem>>
        %dma_wait3A_214 = tpu.memref_squeeze %dma_wait3A_213 : memref<1x1x200x64xf32, #tpu.memory_space<vmem>> -> memref<1x200x64xf32, #tpu.memory_space<vmem>>
        %dma_wait3A_215 = arith.constant 0 : i32
        %dma_wait3A_216 = arith.constant 0 : i32
        %dma_wait3A_217 = tpu.memref_slice %arg6[%add3A_191, %dma_wait3A_215, %dma_wait3A_216] : memref<4096x200x128xf32, #tpu.memory_space<hbm>> -> memref<1x200x64xf32, #tpu.memory_space<hbm>>
        %dma_wait3A_218 = arith.constant 0 : i32
        %dma_wait3A_219 = arith.constant 0 : i32
        %dma_wait3A_220 = tpu.memref_slice %arg6[%add3A_191, %dma_wait3A_218, %dma_wait3A_219] : memref<4096x200x128xf32, #tpu.memory_space<hbm>> -> memref<1x200x64xf32, #tpu.memory_space<hbm>>
        %dma_wait3A_221 = arith.constant 0 : i32
        %dma_wait3A_222 = arith.constant 0 : i32
        %dma_wait3A_223 = arith.constant 0 : i32
        %dma_wait3A_224 = tpu.memref_slice %arg9[%run_scoped3A_192, %dma_wait3A_221, %dma_wait3A_222, %dma_wait3A_223] : memref<2x1x200x64xf32, #tpu.memory_space<vmem>> -> memref<1x1x200x64xf32, #tpu.memory_space<vmem>>
        %dma_wait3A_225 = tpu.memref_squeeze %dma_wait3A_224 : memref<1x1x200x64xf32, #tpu.memory_space<vmem>> -> memref<1x200x64xf32, #tpu.memory_space<vmem>>
        tpu.wait_dma2 semaphore(%run_scoped3A_193 : memref<!tpu.dma_semaphore, #tpu.memory_space<semaphore_mem>>) src(%dma_wait3A_225 : memref<1x200x64xf32, #tpu.memory_space<vmem>>) dst(%dma_wait3A_220 : memref<1x200x64xf32, #tpu.memory_space<hbm>>)
        tpu.yield
      }) : () -> ()
    }
    %scan3A_48 = arith.constant 64 : i32
    return
  }
}

</mosaic_0001>

<sc_bundles>
// kernel: kernel.3.cloned.1.call-start
scs
__scs_entry_jumppad:
0x0: {  	(pc) =	sbr.rel $0x88, $3  }
0x1: {  	(tag) =	ssettag $0x0;
	lr =	simm.s32 $0x1  }
0x2: {  	[smem:$0x3F9E] =	sst lr;
	_ =	strace $0xD0000000  }
0x3: {  	_ = 	snop  }
0x4: {  	_ = 	snop  }
0x5: {  	_ = 	snop  }
0x6: {  	_ = 	snop  }
0x7: {  	_ = 	snop  }
__scs_overlays_trampoline_lowered:
0x8: {  	[smem:$0x3FAD] =	sst s0  }
0x9: {  	[smem:$0x3FAE] =	sst s1  }
0xa: {  	[smem:$0x3FAF] =	sst s2  }
0xb: {  	[smem:$0x3FB0] =	sst s3  }
0xc: {  	[smem:$0x3FB1] =	sst s4  }
0xd: {  	[smem:$0x3FB2] =	sst s5  }
0xe: {  	[smem:$0x3FB3] =	sst s6  }
0xf: {  	[smem:$0x3FB4] =	sst s7  }
0x10: {  	[smem:$0x3FB5] =	sst s8  }
0x11: {  	[smem:$0x3FB6] =	sst s9;
	s0 =	simm.s32 @!p0 $0x0  }
0x12: {  	s1 =	sld [smem:$0x3F9C];
	s0 =	simm.s32 @p0 $0x1  }
0x13: {  	[smem:$0x3FB7] =	sst s0;
	s0 =	simm.s32 @!p1 $0x0  }
0x14: {  	s2 =	sld [smem:$0x3F9B];
	s0 =	simm.s32 @p1 $0x1  }
0x15: {  	[smem:$0x3FB8] =	sst s0;
	s0 =	simm.s32 @!p2 $0x0  }
0x16: {  	s3 =	sld [smem:$0x3FDB];
	s0 =	simm.s32 @p2 $0x1  }
0x17: {  	s4 =	simm.s32 $0x1BF5;
	[smem:$0x3FBA] =	sst s0  }
0x18: {  	s0 =	sld [smem:$0x3F9D];
	_ =	swait.ge [sflag:s4], $0x0  }
0x19: {  	s7 =	sld [smem:$0x3F9E]  }
0x1a: {  	s8 =	sadd.s32 $0xFFFFE003, lr  }
0x1b: {  	s9 =	sadd.s32 $0xFFFFFEF7, lr;
	s5 =	simm.s32 $0xFFFFFFFF;
	p2 =	slt.u32 s8, $0xFFFFF086  }
0x1c: {  	p1 =	slt.u32 s9, $0xF7A;
	s5 =	simm.s32 @!p2 $0x0  }
0x1d: {  	s5 =	simm.s32 @p1 $0x1;
	p0 =	seq.s32 s7, s2  }
0x1e: {  	s7 =	smul.u32 @!p0 $0xF7A, s2;
	p2 =	seq.s32 @!p0 s5, $0x0  }
0x1f: {  	s9 =	smul.u32 $0xF7A, s1;
	s8 =	simm.s32 @!p0 $0x1BF5;
	p2 =	por !p2, p0  }
0x20: {  	[sflag:s8] =	ssyncset.s32 @!p0 $0xFFFFF086;
	s6 =	sadd.s32 @!p0 s3, s7;
	s7 =	simm.s32 @!p0 $0x108  }
0x21: {  	s3 =	sadd.s32 s3, s9;
	s6 =	sadd.s32 @!p0 $0x88, s6;
	s7 =	simm.s32 @p2 $0x1082  }
0x22: {  	[simem:s7], [sflag:s8] =	dma.local @!p0 [hbm:s6], $0xF7A  }
0x23: {  	s9 =	sor.u32 $0xD0000000, s2;
	s6 =	simm.s32 $0x108;
	_ =	swait.ge @!p0 [sflag:s8], $0x0  }
0x24: {  	s3 =	sadd.s32 $0x88, s3;
	s6 =	simm.s32 @!p1 $0x1082;
	[sflag:s4] =	ssyncset.s32 $0xFFFFF086  }
0x25: {  	[simem:s6], [sflag:s4] =	dma.local [hbm:s3], $0xF7A  }
0x26: {  	[smem:$0x3F9E] =	sst s1;
	(tag) =	ssettag s2;
	_ =	strace s9  }
0x27: {  	s1 =	sld [smem:$0x3FAE]  }
0x28: {  	s2 =	sld [smem:$0x3FAF]  }
0x29: {  	s4 =	sld [smem:$0x3FB1]  }
0x2a: {  	p0 =	seq.s32 s5, $0x0;
	s5 =	sld [smem:$0x3FB2]  }
0x2b: {  	s6 =	sld [smem:$0x3FB3]  }
0x2c: {  	s7 =	sld [smem:$0x3FB4]  }
0x2d: {  	s3 =	simm.s32 $0x108;
	s8 =	sld [smem:$0x3FB5]  }
0x2e: {  	s3 =	simm.s32 @!p0 $0x1082;
	s9 =	sld [smem:$0x3FB6]  }
0x2f: {  	lr =	sadd.s32 s0, s3;
	s0 =	sld [smem:$0x3FAD]  }
0x30: {  	s3 =	sld [smem:$0x3FB0]  }
0x31: {  	[smem:$0x3FB9] =	sst s10  }
0x32: {  	s10 =	sld [smem:$0x3FB7];
	_ =	sdelay $0x3  }
0x33: {  	p0 =	seq.s32 s10, $0x1;
	s10 =	sld [smem:$0x3FB9];
	_ =	sdelay $0x3  }
0x34: {  	[smem:$0x3FB9] =	sst s10  }
0x35: {  	s10 =	sld [smem:$0x3FB8];
	_ =	sdelay $0x3  }
0x36: {  	p1 =	seq.s32 s10, $0x1;
	s10 =	sld [smem:$0x3FB9];
	_ =	sdelay $0x3  }
0x37: {  	[smem:$0x3FB9] =	sst s10  }
0x38: {  	s10 =	sld [smem:$0x3FBA]  }
0x39: {  	_ = 	snop;
	(pc) =	sbr.ind lr, $3  }
0x3a: {  	_ = 	snop  }
0x3b: {  	_ = 	snop  }
0x3c: {  	p2 =	seq.s32 s10, $0x1;
	s10 =	sld [smem:$0x3FB9]  }
0x3d: {  	_ =	shalt  }
0x3e: {  	_ =	shalt  }
0x3f: {  	_ =	shalt  }
0x40: {  	_ =	shalt  }
0x41: {  	_ =	shalt  }
0x42: {  	_ =	shalt  }
0x43: {  	_ =	shalt  }
0x44: {  	_ =	shalt  }
0x45: {  	_ =	shalt  }
0x46: {  	_ =	shalt  }
0x47: {  	_ =	shalt  }
0x48: {  	_ =	shalt  }
0x49: {  	_ =	shalt  }
0x4a: {  	_ =	shalt  }
0x4b: {  	_ =	shalt  }
0x4c: {  	_ =	shalt  }
0x4d: {  	_ =	shalt  }
0x4e: {  	_ =	shalt  }
0x4f: {  	_ =	shalt  }
0x50: {  	_ =	shalt  }
0x51: {  	_ =	shalt  }
0x52: {  	_ =	shalt  }
0x53: {  	_ =	shalt  }
0x54: {  	_ =	shalt  }
0x55: {  	_ =	shalt  }
0x56: {  	_ =	shalt  }
0x57: {  	_ =	shalt  }
0x58: {  	_ =	shalt  }
0x59: {  	_ =	shalt  }
0x5a: {  	_ =	shalt  }
0x5b: {  	_ =	shalt  }
0x5c: {  	_ =	shalt  }
0x5d: {  	_ =	shalt  }
0x5e: {  	_ =	shalt  }
0x5f: {  	_ =	shalt  }
0x60: {  	_ =	shalt  }
0x61: {  	_ =	shalt  }
0x62: {  	_ =	shalt  }
0x63: {  	_ =	shalt  }
0x64: {  	_ =	shalt  }
0x65: {  	_ =	shalt  }
0x66: {  	_ =	shalt  }
0x67: {  	_ =	shalt  }
0x68: {  	_ =	shalt  }
0x69: {  	_ =	shalt  }
0x6a: {  	_ =	shalt  }
0x6b: {  	_ =	shalt  }
0x6c: {  	_ =	shalt  }
0x6d: {  	_ =	shalt  }
0x6e: {  	_ =	shalt  }
0x6f: {  	_ =	shalt  }
0x70: {  	_ =	shalt  }
0x71: {  	_ =	shalt  }
0x72: {  	_ =	shalt  }
0x73: {  	_ =	shalt  }
0x74: {  	_ =	shalt  }
0x75: {  	_ =	shalt  }
0x76: {  	_ =	shalt  }
0x77: {  	_ =	shalt  }
0x78: {  	_ =	shalt  }
0x79: {  	_ =	shalt  }
0x7a: {  	_ =	shalt  }
0x7b: {  	_ =	shalt  }
0x7c: {  	_ =	shalt  }
0x7d: {  	_ =	shalt  }
0x7e: {  	_ =	shalt  }
0x7f: {  	_ =	shalt  }
0x80: {  	_ =	shalt  }
0x81: {  	_ =	shalt  }
0x82: {  	_ =	shalt  }
0x83: {  	_ =	shalt  }
0x84: {  	_ =	shalt  }
0x85: {  	_ =	shalt  }
0x86: {  	_ =	shalt  }
0x87: {  	_ =	shalt  }
.Lfunc_end0:
.L_simem_size_0:
called_computation.1_lowered:
.L_overlay_start_0:
0x88: {  	s2 =	sld [smem:$0x3FD9]  }
0x89: {  	s3 =	sld [smem:$0x3FFE];
	_ =	sdelay $0x1  }
0x8a: {  	s1 =	srdreg.scid  }
0x8b: {  	s0 =	sand.u32 $0x1, s1  }
0x8c: {  	s16 =	sshll.u32 s0, $0xA;
	s2 =	sadd.s32 s3, s2  }
0x8d: {  	s2 =	sadd.s32 s2, s16  }
0x8e: {  	[smem:$0x3FC5] =	sst s2  }
0x8f: {  	_ = 	snop  }
0x90: {  	(tm) =	ssettm $0x1  }
0x91: {  	s17 =	sld [smem:$0x3FFB];
	_ =	sdelay $0x3  }
0x92: {  	_ =	strace s17  }
0x93: {  	s2 =	sld [smem:$0x3FFC];
	_ =	sdelay $0x3  }
0x94: {  	_ =	strace s2  }
0x95: {  	s2 =	sld [smem:$0x3FFD];
	_ =	sdelay $0x3  }
0x96: {  	_ =	strace s2  }
0x97: {  	_ =	strace $0x8FFFFFFF  }
0x98: {  	s18 =	sld [smem:$0x3FDB];
	_ =	sdelay $0x1  }
0x99: {  	s19 =	simm.s32 $_scs_section_size  }
0x9a: {  	s4 =	simm.s32 $_size__tile_overlayer_lowered;
	s5 =	simm.s32 $_tile_overlayer_lowered  }
0x9b: {  	s22 =	simm.s32 $0x1BFF;
	s21 =	sshll.u32 s5, $0x1;
	s2 =	sadd.s32 s19, s18  }
0x9c: {  	s6 =	simm.s32 $0x0;
	s20 =	sshll.u32 s4, $0x1;
	s4 =	sadd.s32 s21, s2  }
0x9d: {  	[timem:s6], [sflag:s22] =	dma.local [hbm:s4], s20  }
0x9e: {  	_ =	swait.ge [sflag:s22], s20  }
0x9f: {  	s3 =	ssub.s32 $0x0, s20;
	[sflag:s22] =	ssyncset.done $0x0  }
0xa0: {  	[sflag:s22] =	ssyncadd.s32 s3;
	_ =	sdelay $0x1  }
0xa1: {  	s23 =	simm.s32 $0x1B8B  }
0xa2: {  	_ =	swait.ge [sflag:s23], $0x1  }
0xa3: {  	[sflag:s23] =	ssyncset.done $0x0  }
0xa4: {  	s25 =	simm.s32 $0x1B8E;
	s24 =	sld [smem:$0x3FFE];
	[sflag:s23] =	ssyncadd.s32 $0xFFFFFFFF  }
0xa5: {  	s26 =	simm.s32 $execute0_lowered;
	[smem:$0x3FD2] =	sst s25  }
0xa6: {  	s4 =	sshll.u32 s26, $0x1;
	_ =	strace $0x80000046;
	[dreg:$0x1] =	wrdreg $0xFFFFFFFF  }
0xa7: {  	s28 =	simm.s32 $_size_execute0_lowered;
	s2 =	sadd.s32 s2, s4;
	[dreg:$0x0] =	wrdreg $0x0  }
0xa8: {  	s4 =	sshll.u32 s28, $0x1;
	[dreg:$0x2] =	wrdreg s2  }
0xa9: {  	[dreg:$0x3] =	wrdreg s4  }
0xaa: {  	[dreg:$0x4] =	wrdreg $0xC0  }
0xab: {  	_ =	task [dreg:s6], $0x5FFFF  }
0xac: {  	[dreg:$0x1] =	wrdreg $0xFFFFFFFF  }
0xad: {  	[dreg:$0x0] =	wrdreg $0x60  }
0xae: {  	[dreg:$0x2] =	wrdreg s24  }
0xaf: {  	[dreg:$0x3] =	wrdreg $0x9  }
0xb0: {  	_ =	task.clear_ibuf [dreg:s6], $0x4FFFF;
	_ =	strace $0x90000046  }
0xb1: {  	s29 =	simm.s32 $0x9;
	_ =	strace $0x80000048  }
0xb2: {  	_ =	swait.ge [sflag:s29], $0x1  }
0xb3: {  	[sflag:s29] =	ssyncadd.s32 $0xFFFFFFFF  }
0xb4: {  	_ =	strace $0x90000048  }
0xb5: {  	_ =	sfence  }
0xb6: {  	s30 =	sld [smem:$0x0];
	_ =	sdelay $0x2  }
0xb7: {  	s31 =	sshll.u32 s1, $0xD;
	s1 =	sshrl.u32 s1, $0x2  }
0xb8: {  	s3 =	sand.u32 $0x4000, s31;
	s1 =	sadd.s32 s1, s30  }
0xb9: {  	s0 =	sor.u32 s3, s0;
	s1 =	sshll.u32 s1, $0x11  }
0xba: {  	s0 =	sor.u32 s1, s0  }
0xbb: {  	s0 =	sadd.s32 $0x8F2B, s0  }
0xbc: {  	[sflag:s0] =	ssyncadd.remote.s32 $0x1  }
0xbd: {  	_ =	sfence.sel $0xFFFF  }
0xbe: {  	[dreg:$0x0] =	wrdreg $0xFFFFFFFF;
	(pc) =	sbr.abs _section_cstart, $3  }
0xbf: {  	[dreg:$0x1] =	wrdreg $0xFFFFFFFF  }
0xc0: {  	_ =	task.clear_ibuf [dreg:s6], $0x2FFFF;
	_ =	strace $0x9FFFFFFF  }
0xc1: {  	(tm) =	ssettm $0x7FFFFFFF  }
tec
execute0_lowered:
.L_overlay_start_1:
0x0: {  	(tag) =	ssettag $0x1  }
0x1: {  	s0 =	srdreg.scid  }
0x2: {  	s11 =	stileid.u32;
	s1 =	rddreg [dreg:$0x0];
	s2 =	simm.s32 $0x0  }
0x3: {  	s12 =	simm.s32 $0x1C00;
	s15 =	simm.s32 $0x32;
	s16 =	simm.s32 $0x6400  }
0x4: {  	s17 =	simm.s32 $0x41;
	s18 =	simm.s32 $0x7580;
	s20 =	simm.s32 $0x85C0  }
0x5: {  	s21 =	simm.s32 $0x9600;
	s22 =	simm.s32 $0xA780;
	s23 =	simm.s32 $0xB7C0  }
0x6: {  	s24 =	simm.s32 $0x1;
	s25 =	simm.s32 $0x40;
	s26 =	simm.s32 $0x80  }
0x7: {  	s28 =	simm.s32 $0x2;
	s31 =	simm.s32 $0x63B8;
	s0 =	sand.u32 $0x1, s0  }
0x8: {  	s3 =	sshll.u32 s11, $0x1;
	[smem:$0x7FF] =	sst s2;
	s30 =	smul.u32 $0xC8000, s11  }
0x9: {  	s5 =	sor.u32 s0, s3;
	s8 =	ssub.s32 $0x2, s0;
	s0 =	smul.u32 $0x64000, s0  }
0xa: {  	s4 =	sadd.s32 $0x1000, s1;
	s11 =	simm.s32 $0x3;
	s6 =	smul.u32 $0x380, s5  }
0xb: {  	_ =	strace $0x80000047;
	s7 =	smul.u32 $0x900, s5;
	s9 =	sshrl.u32 s8, $0x1  }
0xc: {  	s3 =	sadd.s32 $0x1A200, s1;
	s10 =	smul.u32 $0x64000, s5;
	s8 =	ssub.s32 s8, s9  }
0xd: {  	s6 =	sadd.s32 s6, s1;
	s7 =	sadd.s32 s7, s1;
	s1 =	sadd.s32 $0xDD800, s1  }
0xe: {  	s5 =	sadd.s32 $0x1200, s6;
	s6 =	sadd.s32 $0x8200, s7;
	s10 =	sadd.s32 s1, s10  }
0xf: {  	s7 =	smax.u32 s8, $0x1;
	s1 =	sadd.s32 s30, s1;
	s8 =	sadd.s32 $0x62700, s10  }
0x10: {  	s9 =	sadd.s32 $0x63380, s10;
	s10 =	sadd.s32 s0, s1;
	s1 =	simm.s32 $0x0  }
.LBB2_1:
0x11: {  	[tilespmem:s2], [sflag:$0x3] =	stream.linear.gather [hbm4b:s5+s2], $0x1C00, $0x38;
	[tilespmem:$0xC800] =	vst v63  }
0x12: {  	_ =	swait.ge [sflag:s11], $0x1C00  }
0x13: {  	[sflag:s11] =	ssyncset.done $0x0  }
0x14: {  	[sflag:s11] =	ssyncadd.s32 $0xFFFFE400  }
0x15: {  	[tilespmem:s12], [sflag:$0x3] =	stream.linear.gather [hbm4b:s6+s2], $0x4800, $0x38;
	[tilespmem:$0xC800] =	vst v63  }
0x16: {  	_ =	swait.ge [sflag:s11], $0x4800  }
0x17: {  	[sflag:s11] =	ssyncset.done $0x0  }
0x18: {  	s0 =	simm.s32 $0x7080;
	[sflag:s11] =	ssyncadd.s32 $0xFFFFB800  }
0x19: {  	[tilespmem:s0], [sflag:$0x3] =	stream.linear.gather [hbm4b:s4+s2], $0x500, $0x38;
	[tilespmem:$0xC800] =	vst v63  }
0x1a: {  	_ =	swait.ge [sflag:s11], $0x500  }
0x1b: {  	[sflag:s11] =	ssyncset.done $0x0  }
0x1c: {  	s14 =	simm.s32 $0xA280;
	[sflag:s11] =	ssyncadd.s32 $0xFFFFFB00  }
0x1d: {  	[tilespmem:s14], [sflag:$0x3] =	stream.linear.gather [hbm4b:s4+s2], $0x500, $0x38;
	[tilespmem:$0xC800] =	vst v63  }
0x1e: {  	_ =	swait.ge [sflag:s11], $0x500  }
0x1f: {  	[sflag:s11] =	ssyncset.done $0x0  }
0x20: {  	[sflag:s11] =	ssyncadd.s32 $0xFFFFFB00  }
0x21: {  	[tilespmem:s16], [sflag:$0x1] =	stream.indirect.gather [hbm4b:s3+s15], $0x40, s2, s15, $0xb8;
	[tilespmem:$0xC800] =	vst v63  }
0x22: {  	_ = 	snop  }
0x23: {  	[tilespmem:s18], [sflag:$0x1] =	stream.indirect.gather [hbm4b:s3+s17], $0x40, s12, s17, $0xb8;
	[tilespmem:$0xC800] =	vst v63  }
0x24: {  	s19 =	simm.s32 $0x1C48  }
0x25: {  	[tilespmem:s20], [sflag:$0x1] =	stream.indirect.gather [hbm4b:s3+s17], $0x40, s19, s17, $0xb8;
	[tilespmem:$0xC800] =	vst v63  }
0x26: {  	s29 =	simm.s32 $0x38  }
0x27: {  	[tilespmem:s21], [sflag:$0x2] =	stream.indirect.gather [hbm4b:s3+s15], $0x40, s29, s15, $0xb8;
	[tilespmem:$0xC800] =	vst v63  }
0x28: {  	s30 =	simm.s32 $0x1C90  }
0x29: {  	[tilespmem:s22], [sflag:$0x2] =	stream.indirect.gather [hbm4b:s3+s17], $0x40, s30, s17, $0xb8;
	[tilespmem:$0xC800] =	vst v63  }
0x2a: {  	s13 =	simm.s32 $0x1CD8  }
0x2b: {  	[tilespmem:s23], [sflag:$0x2] =	stream.indirect.gather [hbm4b:s3+s17], $0x40, s13, s17, $0xb8;
	[tilespmem:$0xC800] =	vst v63  }
0x2c: {  	_ =	swait.ge [sflag:s24], $0xC80  }
0x2d: {  	[sflag:s24] =	ssyncset.done $0x0  }
0x2e: {  	[sflag:s24] =	ssyncadd.s32 $0xFFFFF380  }
0x2f: {  	_ =	swait.ge [sflag:s24], $0x1040  }
0x30: {  	[sflag:s24] =	ssyncset.done $0x0  }
0x31: {  	[sflag:s24] =	ssyncadd.s32 $0xFFFFEFC0  }
0x32: {  	_ =	swait.ge [sflag:s24], $0x1040  }
0x33: {  	[sflag:s24] =	ssyncset.done $0x0  }
0x34: {  	[sflag:s24] =	ssyncadd.s32 $0xFFFFEFC0  }
0x35: {  	[hbm4b:s10+s25] =	stream.strided.scatter [tilespmem:s16], [sflag:$0x3], $0x3200, s26, s25, $0x38;
	[tilespmem:$0xC800] =	vst v63  }
0x36: {  	_ =	swait.ge [sflag:s11], $0x3200  }
0x37: {  	[sflag:s11] =	ssyncset.done $0x0  }
0x38: {  	s14 =	simm.s32 $0x70;
	[sflag:s11] =	ssyncadd.s32 $0xFFFFCE00  }
0x39: {  	[tilespmem:s16], [sflag:$0x1] =	stream.indirect.gather [hbm4b:s3+s15], $0x40, s14, s15, $0xb8;
	[tilespmem:$0xC800] =	vst v63  }
0x3a: {  	s19 =	simm.s32 $0x1D20  }
0x3b: {  	[tilespmem:s18], [sflag:$0x1] =	stream.indirect.gather [hbm4b:s3+s17], $0x40, s19, s17, $0xb8;
	[tilespmem:$0xC800] =	vst v63  }
0x3c: {  	s29 =	simm.s32 $0x1D68  }
0x3d: {  	[tilespmem:s20], [sflag:$0x1] =	stream.indirect.gather [hbm4b:s3+s17], $0x40, s29, s17, $0xb8;
	[tilespmem:$0xC800] =	vst v63  }
0x3e: {  	_ =	swait.ge [sflag:s28], $0xC80  }
0x3f: {  	[sflag:s28] =	ssyncset.done $0x0  }
0x40: {  	[sflag:s28] =	ssyncadd.s32 $0xFFFFF380  }
0x41: {  	_ =	swait.ge [sflag:s28], $0x1040  }
0x42: {  	[sflag:s28] =	ssyncset.done $0x0  }
0x43: {  	[sflag:s28] =	ssyncadd.s32 $0xFFFFEFC0  }
0x44: {  	_ =	swait.ge [sflag:s28], $0x1040  }
0x45: {  	[sflag:s28] =	ssyncset.done $0x0  }
0x46: {  	s30 =	sadd.s32 $0xC80, s10;
	[sflag:s28] =	ssyncadd.s32 $0xFFFFEFC0  }
0x47: {  	[hbm4b:s30+s25] =	stream.strided.scatter [tilespmem:s21], [sflag:$0x3], $0x3200, s26, s25, $0x38;
	[tilespmem:$0xC800] =	vst v63  }
0x48: {  	s0 =	sadd.s32 $0x1900, s10;
	_ =	swait.ge [sflag:s11], $0x3200  }
0x49: {  	s13 =	simm.s32 $0xA8;
	s14 =	simm.s32 $0x480;
	[sflag:s11] =	ssyncset.done $0x0  }
.LBB2_2:
0x4a: {  	s19 =	smov.u32 s14  }
0x4b: {  	s29 =	sshra.s32 s14, $0x2;
	[sflag:s11] =	ssyncadd.s32 $0xFFFFCE00;
	s19 =	sadd.s32 $0x480, s14  }
0x4c: {  	[tilespmem:s21], [sflag:$0x2] =	stream.indirect.gather [hbm4b:s3+s15], $0x40, s13, s15, $0xb8;
	[tilespmem:$0xC800] =	vst v63  }
0x4d: {  	p0 =	sne.s32 s14, $0x11700;
	s30 =	sadd.s32 $0x1C90, s29  }
0x4e: {  	[tilespmem:s22], [sflag:$0x2] =	stream.indirect.gather [hbm4b:s3+s17], $0x40, s30, s17, $0xb8;
	[tilespmem:$0xC800] =	vst v63  }
0x4f: {  	s14 =	sadd.s32 $0x1CD8, s29  }
0x50: {  	[tilespmem:s23], [sflag:$0x2] =	stream.indirect.gather [hbm4b:s3+s17], $0x40, s14, s17, $0xb8;
	[tilespmem:$0xC800] =	vst v63  }
0x51: {  	_ =	swait.ge [sflag:s24], $0xC80  }
0x52: {  	[sflag:s24] =	ssyncset.done $0x0  }
0x53: {  	[sflag:s24] =	ssyncadd.s32 $0xFFFFF380  }
0x54: {  	_ =	swait.ge [sflag:s24], $0x1040  }
0x55: {  	[sflag:s24] =	ssyncset.done $0x0  }
0x56: {  	[sflag:s24] =	ssyncadd.s32 $0xFFFFEFC0  }
0x57: {  	_ =	swait.ge [sflag:s24], $0x1040  }
0x58: {  	[sflag:s24] =	ssyncset.done $0x0  }
0x59: {  	[sflag:s24] =	ssyncadd.s32 $0xFFFFEFC0  }
0x5a: {  	[hbm4b:s0+s25] =	stream.strided.scatter [tilespmem:s16], [sflag:$0x3], $0x3200, s26, s25, $0x38;
	[tilespmem:$0xC800] =	vst v63  }
0x5b: {  	_ =	swait.ge [sflag:s11], $0x3200  }
0x5c: {  	[sflag:s11] =	ssyncset.done $0x0  }
0x5d: {  	s14 =	sadd.s32 $0x38, s13;
	[sflag:s11] =	ssyncadd.s32 $0xFFFFCE00  }
0x5e: {  	[tilespmem:s16], [sflag:$0x1] =	stream.indirect.gather [hbm4b:s3+s15], $0x40, s14, s15, $0xb8;
	[tilespmem:$0xC800] =	vst v63  }
0x5f: {  	s14 =	sadd.s32 $0x1D20, s29  }
0x60: {  	[tilespmem:s18], [sflag:$0x1] =	stream.indirect.gather [hbm4b:s3+s17], $0x40, s14, s17, $0xb8;
	[tilespmem:$0xC800] =	vst v63  }
0x61: {  	s14 =	sadd.s32 $0x1D68, s29  }
0x62: {  	[tilespmem:s20], [sflag:$0x1] =	stream.indirect.gather [hbm4b:s3+s17], $0x40, s14, s17, $0xb8;
	[tilespmem:$0xC800] =	vst v63  }
0x63: {  	_ =	swait.ge [sflag:s28], $0xC80  }
0x64: {  	[sflag:s28] =	ssyncset.done $0x0  }
0x65: {  	[sflag:s28] =	ssyncadd.s32 $0xFFFFF380  }
0x66: {  	_ =	swait.ge [sflag:s28], $0x1040  }
0x67: {  	[sflag:s28] =	ssyncset.done $0x0  }
0x68: {  	[sflag:s28] =	ssyncadd.s32 $0xFFFFEFC0  }
0x69: {  	_ =	swait.ge [sflag:s28], $0x1040  }
.Ltmp0:
0x6a: {  	[sflag:s28] =	ssyncset.done $0x0;
	(pc) =	sbr.rel @p0 .LBB2_2-.Ltmp0, $4  }
0x6b: {  	s14 =	sadd.s32 $0xC80, s0;
	[sflag:s28] =	ssyncadd.s32 $0xFFFFEFC0  }
0x6c: {  	[hbm4b:s14+s25] =	stream.strided.scatter [tilespmem:s21], [sflag:$0x3], $0x3200, s26, s25, $0x38;
	[tilespmem:$0xC800] =	vst v63  }
0x6d: {  	s13 =	sadd.s32 $0x70, s13;
	_ =	swait.ge [sflag:s11], $0x3200  }
0x6e: {  	s0 =	sadd.s32 $0x1900, s0;
	s14 =	smov.u32 s19;
	[sflag:s11] =	ssyncset.done $0x0  }
0x6f: {  	[sflag:s11] =	ssyncadd.s32 $0xFFFFCE00;
	s0 =	simm.s32 $0x1BC8  }
0x70: {  	[tilespmem:s21], [sflag:$0x2] =	stream.indirect.gather [hbm4b:s3+s15], $0x40, s0, s15, $0xb8;
	[tilespmem:$0xC800] =	vst v63  }
0x71: {  	s30 =	simm.s32 $0x6370  }
0x72: {  	[tilespmem:s22], [sflag:$0x2] =	stream.indirect.gather [hbm4b:s3+s17], $0x40, s30, s17, $0xb8;
	[tilespmem:$0xC800] =	vst v63  }
0x73: {  	_ = 	snop  }
0x74: {  	[tilespmem:s23], [sflag:$0x2] =	stream.indirect.gather [hbm4b:s3+s17], $0x40, s31, s17, $0xb8;
	[tilespmem:$0xC800] =	vst v63  }
0x75: {  	_ =	swait.ge [sflag:s24], $0xC80  }
0x76: {  	[sflag:s24] =	ssyncset.done $0x0  }
0x77: {  	[sflag:s24] =	ssyncadd.s32 $0xFFFFF380  }
0x78: {  	_ =	swait.ge [sflag:s24], $0x1040  }
0x79: {  	[sflag:s24] =	ssyncset.done $0x0  }
0x7a: {  	[sflag:s24] =	ssyncadd.s32 $0xFFFFEFC0  }
0x7b: {  	_ =	swait.ge [sflag:s24], $0x1040  }
0x7c: {  	[sflag:s24] =	ssyncset.done $0x0  }
0x7d: {  	[sflag:s24] =	ssyncadd.s32 $0xFFFFEFC0  }
0x7e: {  	[hbm4b:s8+s25] =	stream.strided.scatter [tilespmem:s16], [sflag:$0x3], $0x3200, s26, s25, $0x38;
	[tilespmem:$0xC800] =	vst v63  }
0x7f: {  	_ =	swait.ge [sflag:s11], $0x3200  }
0x80: {  	[sflag:s11] =	ssyncset.done $0x0  }
0x81: {  	[sflag:s11] =	ssyncadd.s32 $0xFFFFCE00  }
0x82: {  	_ =	swait.ge [sflag:s28], $0xC80  }
0x83: {  	[sflag:s28] =	ssyncset.done $0x0  }
0x84: {  	[sflag:s28] =	ssyncadd.s32 $0xFFFFF380  }
0x85: {  	_ =	swait.ge [sflag:s28], $0x1040  }
0x86: {  	[sflag:s28] =	ssyncset.done $0x0  }
0x87: {  	[sflag:s28] =	ssyncadd.s32 $0xFFFFEFC0  }
0x88: {  	s1 =	sadd.s32 $0x1, s1;
	_ =	swait.ge [sflag:s28], $0x1040  }
0x89: {  	p0 =	sne.s32 s1, s7;
	[sflag:s28] =	ssyncset.done $0x0  }
.Ltmp1:
0x8a: {  	[sflag:s28] =	ssyncadd.s32 $0xFFFFEFC0;
	(pc) =	sbr.rel @p0 .LBB2_1-.Ltmp1, $4  }
0x8b: {  	[hbm4b:s9+s25] =	stream.strided.scatter [tilespmem:s21], [sflag:$0x3], $0x3200, s26, s25, $0x38;
	[tilespmem:$0xC800] =	vst v63  }
0x8c: {  	_ =	swait.ge [sflag:s11], $0x3200  }
0x8d: {  	[sflag:s11] =	ssyncset.done $0x0  }
0x8e: {  	[sflag:s11] =	ssyncadd.s32 $0xFFFFCE00  }
0x8f: {  	_ =	sfence.sel $0x180000  }
0x90: {  	[bflag:$0x0] =	sbarrier.arrive $0xFFFF  }
0x91: {  	_ =	strace $0x90000047  }
0x92: {  	s0 =	stileid.u32;
	[bflag:$0x2] =	sbarrier.arrive $0xFFFF  }
0x93: {  	p0 =	sne.s32 s0, $0x0;
	s0 =	rddreg [dreg:$0x1]  }
0x94: {  	s0 =	sadd.s32 @!p0 $0x100000, s0  }
0x95: {  	[sflag:s0] =	ssyncadd.tile.s32 @!p0 $0x1;
	_ =	shalt  }
.Lfunc_end2:
_tile_overlayer_lowered:
.L_overlay_start_2:
0x96: {  	(tag) =	ssettag $0x2  }
0x97: {  	s0 =	rddreg [dreg:$0x0];
	s2 =	stileid.u32  }
0x98: {  	s1 =	rddreg [dreg:$0x1];
	p0 =	sne.s32 s2, $0x0  }
0x99: {  	s3 =	rddreg [dreg:$0x2];
	[bflag:$0x3] =	sbarrier.arrive $0xFFFF;
	s2 =	simm.s32 @!p0 $0x1C03  }
0x9a: {  	[timem:s3], [sflag:s2] =	dma.local @!p0 [hbm:s0], s1  }
0x9b: {  	s0 =	simm.s32 @!p0 $0x3  }
0x9c: {  	_ =	swait.ge @!p0 [sflag:s0], s1  }
0x9d: {  	s1 =	ssub.s32 @!p0 $0x0, s1;
	[sflag:s0] =	ssyncset.done @!p0 $0x0  }
0x9e: {  	[sflag:s0] =	ssyncadd.s32 @!p0 s1  }
0x9f: {  	[bflag:$0x3] =	sbarrier.arrive $0xFFFF  }
0xa0: {  	_ =	shalt  }

// kernel: sparse-core-data-format-call.cloned.1.call-start
scs
called_computation_lowered:
.L_overlay_start_0:
0x0: {  	s2 =	sld [smem:$0x3FD9]  }
0x1: {  	s3 =	sld [smem:$0x3FFE];
	_ =	sdelay $0x1  }
0x2: {  	s1 =	srdreg.scid  }
0x3: {  	s0 =	sand.u32 $0x1, s1  }
0x4: {  	s18 =	sshll.u32 s0, $0xA;
	s2 =	sadd.s32 s3, s2  }
0x5: {  	s2 =	sadd.s32 s2, s18  }
0x6: {  	[smem:$0x3FC5] =	sst s2  }
0x7: {  	_ = 	snop  }
0x8: {  	s2 =	sld [smem:$0x3FD0];
	(tm) =	ssettm $0x1  }
0x9: {  	s19 =	sld [smem:$0x3FFB];
	_ =	sdelay $0x3  }
0xa: {  	_ =	strace s19  }
0xb: {  	s3 =	sld [smem:$0x3FFC];
	_ =	sdelay $0x3  }
0xc: {  	_ =	strace s3  }
0xd: {  	s3 =	sld [smem:$0x3FFD];
	_ =	sdelay $0x3  }
0xe: {  	_ =	strace s3  }
0xf: {  	_ =	strace $0x8FFFFFFF  }
0x10: {  	s20 =	sld [smem:$0x3FDB];
	_ =	sdelay $0x1  }
0x11: {  	s4 =	simm.s32 $_scs_section_size  }
0x12: {  	s5 =	simm.s32 $_size__tile_overlayer_lowered;
	s6 =	simm.s32 $_tile_overlayer_lowered  }
0x13: {  	s23 =	simm.s32 $0x1BFF;
	s22 =	sshll.u32 s6, $0x1;
	s3 =	sadd.s32 s4, s20  }
0x14: {  	s7 =	simm.s32 $0x0;
	s21 =	sshll.u32 s5, $0x1;
	s5 =	sadd.s32 s22, s3  }
0x15: {  	[timem:s7], [sflag:s23] =	dma.local [hbm:s5], s21  }
0x16: {  	_ =	swait.ge [sflag:s23], s21  }
0x17: {  	s4 =	ssub.s32 $0x0, s21;
	[sflag:s23] =	ssyncset.done $0x0  }
0x18: {  	[sflag:s23] =	ssyncadd.s32 s4;
	_ =	sdelay $0x1  }
0x19: {  	s24 =	simm.s32 $0x1B8B  }
0x1a: {  	_ =	swait.ge [sflag:s24], $0x1  }
0x1b: {  	[sflag:s24] =	ssyncset.done $0x0  }
0x1c: {  	s26 =	simm.s32 $0x1B8E;
	s25 =	sld [smem:$0x3FFE];
	[sflag:s24] =	ssyncadd.s32 $0xFFFFFFFF  }
0x1d: {  	s27 =	simm.s32 $execute0_lowered;
	[smem:$0x3FD2] =	sst s26  }
0x1e: {  	s5 =	sshll.u32 s27, $0x1;
	_ =	strace $0x80000049;
	[dreg:$0x1] =	wrdreg $0xFFFFFFFF  }
0x1f: {  	s28 =	simm.s32 $_size_execute0_lowered;
	s3 =	sadd.s32 s3, s5;
	[dreg:$0x0] =	wrdreg $0x0  }
0x20: {  	s5 =	sshll.u32 s28, $0x1;
	[dreg:$0x2] =	wrdreg s3  }
0x21: {  	[dreg:$0x3] =	wrdreg s5  }
0x22: {  	[dreg:$0x4] =	wrdreg $0xC0  }
0x23: {  	_ =	task [dreg:s7], $0x5FFFF  }
0x24: {  	[dreg:$0x1] =	wrdreg $0xFFFFFFFF  }
0x25: {  	[dreg:$0x0] =	wrdreg $0x60  }
0x26: {  	[dreg:$0x2] =	wrdreg s25  }
0x27: {  	[dreg:$0x3] =	wrdreg s2  }
0x28: {  	[dreg:$0x4] =	wrdreg $0x9  }
0x29: {  	_ =	task.clear_ibuf [dreg:s7], $0x5FFFF;
	_ =	strace $0x90000049  }
0x2a: {  	s29 =	simm.s32 $0x9;
	_ =	strace $0x8000004B  }
0x2b: {  	_ =	swait.ge [sflag:s29], $0x1  }
0x2c: {  	[sflag:s29] =	ssyncadd.s32 $0xFFFFFFFF  }
0x2d: {  	_ =	strace $0x9000004B  }
0x2e: {  	_ =	sfence  }
0x2f: {  	s30 =	sld [smem:$0x0];
	_ =	sdelay $0x2  }
0x30: {  	s31 =	sshll.u32 s1, $0xD;
	s1 =	sshrl.u32 s1, $0x2  }
0x31: {  	s3 =	sand.u32 $0x4000, s31;
	s1 =	sadd.s32 s1, s30  }
0x32: {  	s0 =	sor.u32 s3, s0;
	s1 =	sshll.u32 s1, $0x11  }
0x33: {  	s0 =	sor.u32 s1, s0  }
0x34: {  	s0 =	sadd.s32 $0x8F2B, s0  }
0x35: {  	[sflag:s0] =	ssyncadd.remote.s32 $0x1  }
0x36: {  	_ =	sfence.sel $0xFFFF  }
0x37: {  	[dreg:$0x0] =	wrdreg $0xFFFFFFFF;
	(pc) =	sbr.abs _section_cstart, $3  }
0x38: {  	[dreg:$0x1] =	wrdreg $0xFFFFFFFF  }
0x39: {  	_ =	task.clear_ibuf [dreg:s7], $0x2FFFF;
	_ =	strace $0x9FFFFFFF  }
0x3a: {  	(tm) =	ssettm $0x7FFFFFFF  }
0x3b: {  	_ =	shalt  }
tec
execute0_lowered:
.L_overlay_start_1:
0x0: {  	(tag) =	ssettag $0x1  }
0x1: {  	s0 =	srdreg.scid  }
0x2: {  	s1 =	sshll.u32 s0, $0x4  }
0x3: {  	s0 =	stileid.u32;
	s1 =	sand.u32 $0x10, s1  }
0x4: {  	s1 =	sor.u32 s0, s1  }
0x5: {  	s6 =	rddreg [dreg:$0x0];
	s4 =	simm.s32 $0x1;
	s2 =	sshll.u32 s1, $0x7  }
0x6: {  	s7 =	simm.s32 $0x2;
	s12 =	simm.s32 $0x0;
	s1 =	ssub.s32 $0x1000, s2  }
0x7: {  	s8 =	simm.s32 $0x8000;
	s13 =	simm.s32 $0x0;
	s3 =	sand.u32 $0xF80, s1  }
0x8: {  	s9 =	simm.s32 $0x0;
	s5 =	sshrl.u32 s1, $0xC;
	p0 =	sne.s32 s3, $0x0  }
.Ltmp0:
0x9: {  	s1 =	rddreg [dreg:$0x2];
	s4 =	simm.s32 @!p0 $0x0;
	(pc) =	sbr.rel .LBB1_1-.Ltmp0, $4  }
0xa: {  	s11 =	simm.s32 $0x0;
	s3 =	rddreg [dreg:$0x1];
	s5 =	sadd.s32 s4, s5  }
0xb: {  	_ =	strace $0x8000004A;
	s4 =	simm.s32 $0x1;
	s5 =	smul.u32 $0xC8, s5  }
0xc: {  	s6 =	sadd.s32 $0xDD800, s6;
	s10 =	smov.u32 s2;
	[sflag:s4] =	ssyncpa.u1 $0x0  }
0xd: {  	p0 =	por $0x0, $0x0;
	[sflag:s7] =	ssyncpa.u1 $0x0;
	s7 =	sor.u32 $0x1, s5  }
.LBB1_4:
0xe: {  	s16 =	sshll.u32 s13, $0x3;
	s17 =	sand.u32 $0x78, s13  }
0xf: {  	s30 =	sand.u32 $0x7E00, s13;
	s12 =	sshll.u32 s12, $0xF;
	s16 =	sand.u32 $0xC00, s16  }
0x10: {  	[tilespmem:s15+$0x810 ss:$0x81] =	vst.msk $0xffff, v2;
	s31 =	sand.u32 $0x7, s13;
	s16 =	sor.u32 s17, s16;
	s17 =	sadd.s32 s3, s30  }
0x11: {  	[tilespmem:s15+$0x1020 ss:$0x81] =	vst.msk $0xffff, v0;
	s13 =	sshll.u32 s31, $0x12;
	s12 =	sadd.s32 s12, s17;
	s16 =	sshrl.u32 s16, $0x3  }
0x12: {  	[tilespmem:s15+$0x0 ss:$0x81] =	vst.msk $0xffff, v1;
	s13 =	sor.u32 $0x400, s13;
	s12 =	sadd.s32 s16, s12  }
0x13: {  	[hbm4b:s12+s13] =	stream.strided.scatter [tilespmem:s14], [sflag:$0x2], $0x2000, s8, s13, $0x20;
	[tilespmem:$0x8080] =	vst v63  }
.LBB1_5:
0x14: {  	s14 =	sadd.s32 $0x1, s9  }
0x15: {  	s12 =	sadd.s32 $0x1000, s10;
	s16 =	smov.u32 s10;
	p2 =	sgt.s32 s14, $0xC7  }
0x16: {  	s16 =	smov.u32 @p2 s12  }
0x17: {  	s14 =	simm.s32 @p2 $0x0;
	p2 =	sgt.s32 s16, $0xFFF  }
0x18: {  	s16 =	smov.u32 @p2 s2;
	p2 =	sne.s32 s11, s7  }
.Ltmp1:
0x19: {  	p1 =	slt.u32 s11, $0x2;
	(pc) =	sbr.rel @!p2 .LBB1_6-.Ltmp1, $4  }
0x1a: {  	s15 =	simm.s32 @!p1 $0x2  }
0x1b: {  	s13 =	smov.u32 s10;
	p0 =	por !p0, !p0;
	_ =	swait.ge @!p1 [sflag:s15], $0x2000  }
0x1c: {  	s12 =	smov.u32 s9;
	[sflag:s15] =	ssyncset.done @!p1 $0x0;
	s9 =	smov.u32 s14  }
0x1d: {  	s11 =	sadd.s32 $0x1, s11;
	[sflag:s15] =	ssyncadd.s32 @!p1 $0xFFFFE000;
	s10 =	smov.u32 s16  }
.LBB1_1:
0x1e: {  	p1 =	sge.u32 s11, s5  }
0x1f: {  	s14 =	sand.u32 @!p1 $0x1FFFFFF, s9  }
0x20: {  	s15 =	smulhi.u32 @!p1 $0x147AE15, s14;
	_ =	sdelay $0x1  }
0x21: {  	s15 =	smul.u32 @!p1 $0xC8, s15  }
0x22: {  	s16 =	sxor.u32 @!p1 $0xFFFFFFFF, s11;
	s17 =	smul.u32 @!p1 $0xC80, s10  }
0x23: {  	s31 =	sadd.s32 $0xFFFFFFFF, s11;
	s16 =	sshll.u32 @!p1 s16, $0xD;
	s14 =	ssub.s32 @!p1 s14, s15  }
0x24: {  	s15 =	sand.u32 @!p1 $0x2000, s16;
	s16 =	sadd.s32 @!p1 s6, s17;
	s14 =	sshll.u32 @!p1 s14, $0x4  }
0x25: {  	s17 =	simm.s32 @!p1 $0x6400;
	s14 =	sadd.s32 @!p1 s14, s16;
	s16 =	simm.s32 @!p1 $0x40  }
0x26: {  	[tilespmem:s15], [sflag:$0x1] =	stream.strided.gather @!p1 [hbm4b:s14+s16], $0x2000, s17, s16, $0x38;
	[tilespmem:$0x8080] =	vst v63  }
0x27: {  	p1 =	sge.u32 s31, s5  }
.Ltmp2:
0x28: {  	_ = 	snop;
	(pc) =	sbr.rel @p1 .LBB1_5-.Ltmp2, $1  }
0x29: {  	_ =	sdelay $0x3  }
0x2a: {  	s14 =	simm.s32 $0x1  }
0x2b: {  	_ =	swait.ge [sflag:s4], $0x2000;
	s14 =	simm.s32 @!p0 $0x0  }
0x2c: {  	[sflag:s4] =	ssyncset.done $0x0;
	s15 =	sshll.u32 s14, $0xD  }
0x2d: {  	[sflag:s4] =	ssyncadd.s32 $0xFFFFE000;
	s18 =	sor.u32 $0x20, s15  }
0x2e: {  	s14 =	smul.u32 $0x8100, s14;
	v3 =	vld [tilespmem:s18+$0x10]  }
0x2f: {  	s30 =	sand.u32 $0x1, s11;
	v2 =	vld [tilespmem:s18+$0xFFFFFFF0]  }
0x30: {  	s15 =	smul.u32 $0x8100, s30;
	s14 =	sshrl.u32 s14, $0x2;
	v0 =	vld [tilespmem:s18+$0x0]  }
0x31: {  	v1 =	vld [tilespmem:s18+$0xFFFFFFE0];
	s16 =	sor.u32 $0x4000, s14  }
0x32: {  	s31 =	sshrl.u32 s15, $0x2;
	s15 =	sadd.s32 $0x0, s16  }
0x33: {  	s17 =	simm.s32 $0x4;
	s18 =	sadd.s32 $0x40, s18;
	s14 =	sor.u32 $0x4000, s31;
	[tilespmem:s15+$0x1830 ss:$0x81] =	vst.msk $0xffff, v3  }
.LBB1_3:
0x34: {  	v3 =	vld [tilespmem:s18+$0x10];
	p1 =	sne.s32 s17, $0x1FC;
	[tilespmem:s15+$0x810 ss:$0x81] =	vst.msk $0xffff, v2;
	s19 =	smov.u32 s17;
	s17 =	sadd.s32 $0x4, s17  }
.Ltmp3:
0x35: {  	v2 =	vld [tilespmem:s18+$0xFFFFFFF0];
	[tilespmem:s15+$0x1020 ss:$0x81] =	vst.msk $0xffff, v0;
	(pc) =	sbr.rel @p1 .LBB1_3-.Ltmp3, $4  }
0x36: {  	v0 =	vld [tilespmem:s18+$0x0];
	[tilespmem:s15+$0x0 ss:$0x81] =	vst.msk $0xffff, v1  }
0x37: {  	s15 =	sshra.s32 s19, $0x2;
	v1 =	vld [tilespmem:s18+$0xFFFFFFE0]  }
0x38: {  	s15 =	sadd.s32 s15, s16  }
0x39: {  	s18 =	sadd.s32 $0x40, s18;
	[tilespmem:s15+$0x1830 ss:$0x81] =	vst.msk $0xffff, v3  }
.Ltmp4:
0x3a: {  	_ = 	snop;
	(pc) =	sbr.rel .LBB1_4-.Ltmp4, $1  }
0x3b: {  	_ =	sdelay $0x3  }
.LBB1_6:
0x3c: {  	_ =	sfence.sel $0x180000  }
0x3d: {  	s2 =	simm.s32 $0x1;
	[bflag:$0x0] =	sbarrier.arrive $0xFFFF  }
0x3e: {  	s31 =	simm.s32 $0x2;
	[sflag:s2] =	ssyncpa.u1 $0x1  }
0x3f: {  	[sflag:s31] =	ssyncpa.u1 $0x1  }
0x40: {  	p0 =	sne.s32 s0, $0x0;
	_ =	strace $0x9000004A  }
0x41: {  	s0 =	sadd.s32 @!p0 $0x100000, s1;
	[bflag:$0x2] =	sbarrier.arrive $0xFFFF  }
0x42: {  	[sflag:s0] =	ssyncadd.tile.s32 @!p0 $0x1;
	_ =	shalt  }
.Lfunc_end1:
_tile_overlayer_lowered:
.L_overlay_start_2:
0x43: {  	(tag) =	ssettag $0x2  }
0x44: {  	s0 =	rddreg [dreg:$0x0];
	s2 =	stileid.u32  }
0x45: {  	s1 =	rddreg [dreg:$0x1];
	p0 =	sne.s32 s2, $0x0  }
0x46: {  	s3 =	rddreg [dreg:$0x2];
	[bflag:$0x3] =	sbarrier.arrive $0xFFFF;
	s2 =	simm.s32 @!p0 $0x1C01  }
0x47: {  	[timem:s3], [sflag:s2] =	dma.local @!p0 [hbm:s0], s1  }
0x48: {  	s0 =	simm.s32 @!p0 $0x1  }
0x49: {  	_ =	swait.ge @!p0 [sflag:s0], s1  }
0x4a: {  	s1 =	ssub.s32 @!p0 $0x0, s1;
	[sflag:s0] =	ssyncset.done @!p0 $0x0  }
0x4b: {  	[sflag:s0] =	ssyncadd.s32 @!p0 s1  }
0x4c: {  	[bflag:$0x3] =	sbarrier.arrive $0xFFFF  }
0x4d: {  	_ =	shalt  }

</sc_bundles>
